<compile_context>
chip_gen: v7x
topology: tpu7x:2x2x1
jax: 0.10.2.dev20260603
libtpu: 0.0.44.dev20260713+nightly
codegen_flags: <defaults>
</compile_context>

<pallas_src>
import functools

import jax
import jax.numpy as jnp
from jax import lax
from jax.experimental import pallas as pl
from jax.experimental.pallas import tpu as pltpu
from jax.experimental.pallas import tpu_sc as plsc

_K = 64
_C = 256
_ITERS = 100
_INF = 1e12
_B = 8


def _ot_kernel(rf_ref, sf_ref, rm_ref, sm_ref, alpha_ref, out_ref):
    B = rf_ref.shape[0]
    rf = rf_ref[...]
    sf = sf_ref[...]
    scores = jax.lax.dot_general(
        rf, sf, (((2,), (2,)), ((0,), (0,))),
        preferred_element_type=jnp.float32) * (1.0 / 16.0)
    rm = rm_ref[...]
    sm = sm_ref[...]
    alpha = alpha_ref[0, 0]

    pad_col = jnp.full((B, _K, 1), alpha, jnp.float32)
    pad_row = jnp.full((B, 1, _K + 1), alpha, jnp.float32)
    padded = jnp.concatenate([jnp.concatenate([scores, pad_col], 2), pad_row], 1)
    ones = jnp.ones((B, 1), jnp.float32)
    prm = jnp.concatenate([rm, ones], 1)
    pcm = jnp.concatenate([sm, ones], 1)
    smask = prm[:, :, None] * pcm[:, None, :]
    padded = jnp.where(smask > 0.5, padded, -_INF)

    nvr = rm.sum(1)
    nvc = sm.sum(1)
    norm = -jnp.log(jnp.maximum(nvr + nvc, 1.0))
    log_mu = jnp.concatenate(
        [jnp.where(rm > 0.5, norm[:, None], -_INF),
         (jnp.log(jnp.maximum(nvc, 1.0)) + norm)[:, None]], 1)
    log_nu = jnp.concatenate(
        [jnp.where(sm > 0.5, norm[:, None], -_INF),
         (jnp.log(jnp.maximum(nvr, 1.0)) + norm)[:, None]], 1)

    E = jnp.exp(padded)
    validr = prm > 0.5
    validc = pcm > 0.5

    def body(_, uv):
        u, v = uv
        r = (E * jnp.exp(v)[:, None, :]).sum(2)
        u = jnp.where(validr, log_mu - jnp.log(r), 0.0)
        c = (E * jnp.exp(u)[:, :, None]).sum(1)
        v = jnp.where(validc, log_nu - jnp.log(c), 0.0)
        return (u, v)

    u, v = jax.lax.fori_loop(
        0, _ITERS, body,
        (jnp.zeros((B, _K + 1), jnp.float32), jnp.zeros((B, _K + 1), jnp.float32)),
        unroll=2)
    out_ref[...] = padded + u[:, :, None] + v[:, None, :] - norm[:, None, None]


def _ot_sinkhorn(ref_ck_feats, src_ck_feats, ref_ck_masks, src_ck_masks, alpha):
    alpha_arr = jnp.reshape(alpha, (1, 1)).astype(jnp.float32)
    grid = (_C // _B,)
    return pl.pallas_call(
        _ot_kernel,
        grid=grid,
        in_specs=[
            pl.BlockSpec((_B, _K, 256), lambda b: (b, 0, 0)),
            pl.BlockSpec((_B, _K, 256), lambda b: (b, 0, 0)),
            pl.BlockSpec((_B, _K), lambda b: (b, 0)),
            pl.BlockSpec((_B, _K), lambda b: (b, 0)),
            pl.BlockSpec((1, 1), lambda b: (0, 0)),
        ],
        out_specs=pl.BlockSpec((_B, _K + 1, _K + 1), lambda b: (b, 0, 0)),
        out_shape=jax.ShapeDtypeStruct((_C, _K + 1, _K + 1), jnp.float32),
    )(ref_ck_feats, src_ck_feats,
      ref_ck_masks.astype(jnp.float32), src_ck_masks.astype(jnp.float32),
      alpha_arr)


_NW = 32
_ROWS = _C * _K
_RPW = _ROWS // _NW
_CPW = _C // _NW


def _sc_gather_kernel(rt_hbm, st_hbm, ri_hbm, si_hbm,
                      orf, osf,
                      riv, siv, buf0, buf1, sem0, sem1):
    wid = lax.axis_index("s") * 2 + lax.axis_index("c")
    cbase = wid * _CPW
    rbase = wid * _RPW
    pltpu.sync_copy(ri_hbm.at[pl.ds(cbase, _CPW)], riv)
    pltpu.sync_copy(si_hbm.at[pl.ds(cbase, _CPW)], siv)

    def chunk(j, _):
        cp0 = pltpu.make_async_copy(rt_hbm.at[riv.at[j]], buf0, sem0)
        cp1 = pltpu.make_async_copy(st_hbm.at[siv.at[j]], buf1, sem1)
        cp0.start(); cp1.start()
        cp0.wait()
        pltpu.sync_copy(buf0, orf.at[pl.ds(rbase + j * _K, _K)])
        cp1.wait()
        pltpu.sync_copy(buf1, osf.at[pl.ds(rbase + j * _K, _K)])
        return ()

    lax.fori_loop(0, _CPW, chunk, (), unroll=False)


def _sc_gather(ref_table, src_table, ref_idx, src_idx):
    mesh = plsc.VectorSubcoreMesh(core_axis_name="c", subcore_axis_name="s")
    d = ref_table.shape[1]
    f = pl.kernel(
        _sc_gather_kernel,
        mesh=mesh,
        out_type=[
            jax.ShapeDtypeStruct((_ROWS, d), jnp.float32),
            jax.ShapeDtypeStruct((_ROWS, d), jnp.float32),
        ],
        scratch_types=[
            pltpu.VMEM((_CPW, _K), jnp.int32),
            pltpu.VMEM((_CPW, _K), jnp.int32),
            pltpu.VMEM((_K, d), jnp.float32),
            pltpu.VMEM((_K, d), jnp.float32),
            pltpu.SemaphoreType.DMA,
            pltpu.SemaphoreType.DMA,
        ],
    )
    return f(ref_table, src_table, ref_idx, src_idx)


def _sq_dist_k(a, b):
    return jnp.maximum(
        (a * a).sum(-1)[:, None] + (b * b).sum(-1)[None, :] - 2.0 * (a @ b.T), 0.0)


_NB = 8
_NC_NODES = 512
_NF_PTS = 16384
_BIG_I = 2 ** 24


def _knn_kernel(dT_ref, knn_ref, p2n_ref, runv_ref, runi_ref):
    blk = pl.program_id(0)
    d0 = dT_ref[...]
    lane = jax.lax.broadcasted_iota(jnp.int32, (_NB, _NF_PTS), 1)

    sub = jax.lax.broadcasted_iota(jnp.int32, (_NB, _NF_PTS), 0)
    bm = jnp.min(d0, axis=0, keepdims=True)
    bi = (jnp.min(jnp.where(d0 == bm, sub, _BIG_I), axis=0, keepdims=True)
          + 8 * blk)

    @pl.when(blk == 0)
    def _():
        runv_ref[...] = bm
        runi_ref[...] = bi

    @pl.when(blk > 0)
    def _():
        rv = runv_ref[...]
        take = bm < rv
        runv_ref[...] = jnp.where(take, bm, rv)
        runi_ref[...] = jnp.where(take, bi, runi_ref[...])

    @pl.when(blk == pl.num_programs(0) - 1)
    def _():
        p2n_ref[...] = runi_ref[...]

    lane64 = jax.lax.broadcasted_iota(jnp.int32, (_NB, _K), 1)

    def step(j, carry):
        x, acc = carry
        v, i = x, lane
        w = _NF_PTS
        while w > 128:
            h = w // 2
            va, vb = v[:, :h], v[:, h:]
            ia, ib = i[:, :h], i[:, h:]
            t = vb < va
            v = jnp.where(t, vb, va)
            i = jnp.where(t, ib, ia)
            w = h
        m = jnp.min(v, axis=1, keepdims=True)
        ii = jnp.min(jnp.where(v == m, i, _BIG_I), axis=1, keepdims=True)
        acc = jnp.where(lane64 == j, ii, acc)
        return jnp.where(lane == ii, jnp.float32(_INF), x), acc

    _, acc = jax.lax.fori_loop(
        0, _K, step, (d0, jnp.zeros((_NB, _K), jnp.int32)), unroll=8)
    knn_ref[...] = acc


def _knn_topk(dist2T):
    grid = (_NC_NODES // _NB,)
    knn, p2n = pl.pallas_call(
        _knn_kernel,
        grid=grid,
        in_specs=[pl.BlockSpec((_NB, _NF_PTS), lambda b: (b, 0))],
        out_specs=[pl.BlockSpec((_NB, _K), lambda b: (b, 0)),
                   pl.BlockSpec((1, _NF_PTS), lambda b: (0, 0))],
        out_shape=[jax.ShapeDtypeStruct((_NC_NODES, _K), jnp.int32),
                   jax.ShapeDtypeStruct((1, _NF_PTS), jnp.int32)],
        scratch_shapes=[pltpu.VMEM((1, _NF_PTS), jnp.float32),
                        pltpu.VMEM((1, _NF_PTS), jnp.int32)],
    )(dist2T)
    return knn, p2n.reshape(_NF_PTS)


def _partition(points_f, points_c, k):
    dist2 = _sq_dist_k(points_f, points_c)
    knn_indices, point_to_node = _knn_topk(dist2.T)
    counts = jnp.zeros((points_c.shape[0],), jnp.int32).at[point_to_node].add(1)
    node_masks = counts > 0
    knn_masks = point_to_node[knn_indices] == jnp.arange(points_c.shape[0])[:, None]
    knn_indices = jnp.where(knn_masks, knn_indices, points_f.shape[0])
    return node_masks, knn_indices, knn_masks


def kernel(ref_points_f, src_points_f, ref_points_c, src_points_c,
           ref_feats_f, src_feats_f, ref_feats_c, src_feats_c, alpha):
    k = _K
    ref_node_masks, ref_knn_idx, ref_knn_masks = _partition(ref_points_f, ref_points_c, k)
    src_node_masks, src_knn_idx, src_knn_masks = _partition(src_points_f, src_points_c, k)

    ref_padded_points = jnp.concatenate([ref_points_f, jnp.zeros((1, 3), jnp.float32)], axis=0)
    src_padded_points = jnp.concatenate([src_points_f, jnp.zeros((1, 3), jnp.float32)], axis=0)

    rfn = ref_feats_c / (jnp.linalg.norm(ref_feats_c, axis=1, keepdims=True) + 1e-12)
    sfn = src_feats_c / (jnp.linalg.norm(src_feats_c, axis=1, keepdims=True) + 1e-12)
    dist = jnp.maximum(2.0 - 2.0 * (rfn @ sfn.T), 0.0)
    scores = jnp.exp(-dist)
    scores = (scores / scores.sum(1, keepdims=True)) * (scores / scores.sum(0, keepdims=True))
    pair_mask = ref_node_masks[:, None] & src_node_masks[None, :]
    scores = jnp.where(pair_mask, scores, 0.0)
    node_corr_scores, corr_idx = jax.lax.top_k(scores.reshape(-1), _C)
    Mc = src_feats_c.shape[0]
    ref_corr = corr_idx // Mc
    src_corr = corr_idx % Mc

    ref_ck_idx = ref_knn_idx[ref_corr]
    src_ck_idx = src_knn_idx[src_corr]
    ref_ck_masks = ref_knn_masks[ref_corr]
    src_ck_masks = src_knn_masks[src_corr]

    d = ref_feats_f.shape[1]
    ref_table = jnp.concatenate(
        [ref_padded_feats := jnp.concatenate(
            [ref_feats_f, jnp.zeros((1, d), jnp.float32)], axis=0),
         jnp.pad(ref_padded_points, ((0, 0), (0, 125)))], axis=1)
    src_table = jnp.concatenate(
        [src_padded_feats := jnp.concatenate(
            [src_feats_f, jnp.zeros((1, d), jnp.float32)], axis=0),
         jnp.pad(src_padded_points, ((0, 0), (0, 125)))], axis=1)
    del ref_padded_feats, src_padded_feats

    rg, sg = _sc_gather(ref_table, src_table, ref_ck_idx, src_ck_idx)
    ref_ck_feats = rg[:, :d].reshape(_C, _K, d)
    src_ck_feats = sg[:, :d].reshape(_C, _K, d)
    ref_ck_points = rg[:, d:d + 3].reshape(_C, _K, 3)
    src_ck_points = sg[:, d:d + 3].reshape(_C, _K, 3)

    matching_scores = _ot_sinkhorn(ref_ck_feats, src_ck_feats, ref_ck_masks, src_ck_masks, alpha)
    return matching_scores, node_corr_scores, ref_corr, src_corr, ref_ck_points, src_ck_points

# --- scband reference (transcript-rebuilt; emitter-appended) ---
"""Pipeline reference for scband-geo-transformer-18614388261001 (READ-ONLY COPY).

The authoritative reference and input builder live on the scoring server;
editing this copy changes nothing except your own understanding.
"""

import jax, jax.numpy as jnp
import numpy as np

NUM_POINTS_IN_PATCH = 64
NUM_CORRESPONDENCES = 256
NUM_SINKHORN_ITERATIONS = 100
DUAL_NORMALIZATION = True
INF = 1e12


def setup_inputs(seed: int = 0):
    key = jax.random.key(seed)
    ks = jax.random.split(key, 9)
    Nf, Mf, Nc, Mc, d = 16384, 16384, 512, 512, 256
    return {
        "ref_points_f": jax.random.normal(ks[0], (Nf, 3), jnp.float32),
        "src_points_f": jax.random.normal(ks[1], (Mf, 3), jnp.float32),
        "ref_points_c": jax.random.normal(ks[2], (Nc, 3), jnp.float32),
        "src_points_c": jax.random.normal(ks[3], (Mc, 3), jnp.float32),
        "ref_feats_f": jax.random.normal(ks[4], (Nf, d), jnp.float32),
        "src_feats_f": jax.random.normal(ks[5], (Mf, d), jnp.float32),
        "ref_feats_c": jax.random.normal(ks[6], (Nc, d), jnp.float32),
        "src_feats_c": jax.random.normal(ks[7], (Mc, d), jnp.float32),
        "alpha": jnp.array(1.0, jnp.float32),
    }


def _sq_dist(a, b):
    return jnp.maximum((a * a).sum(-1)[:, None] + (b * b).sum(-1)[None, :] - 2.0 * (a @ b.T), 0.0)


def _point_to_node_partition(points_f, points_c, k):
    dist2 = _sq_dist(points_f, points_c)  # [Nf, Nc]
    point_to_node = jnp.argmin(dist2, axis=1)  # [Nf]
    counts = jnp.zeros((points_c.shape[0],), jnp.int32).at[point_to_node].add(1)
    node_masks = counts > 0
    _, knn_indices = jax.lax.top_k(-dist2.T, k)  # [Nc, k] nearest fine points per node
    knn_masks = point_to_node[knn_indices] == jnp.arange(points_c.shape[0])[:, None]
    knn_indices = jnp.where(knn_masks, knn_indices, points_f.shape[0])  # padded index
    return node_masks, knn_indices, knn_masks


def _sinkhorn(scores, row_masks, col_masks, alpha, num_iter):
    b, m, n = scores.shape
    padded = jnp.concatenate([scores, jnp.full((b, m, 1), alpha)], axis=2)
    padded = jnp.concatenate([padded, jnp.full((b, 1, n + 1), alpha)], axis=1)
    prm = jnp.concatenate([row_masks, jnp.ones((b, 1), bool)], axis=1)
    pcm = jnp.concatenate([col_masks, jnp.ones((b, 1), bool)], axis=1)
    smask = prm[:, :, None] & pcm[:, None, :]
    padded = jnp.where(smask, padded, -INF)
    nvr = row_masks.sum(1).astype(jnp.float32)
    nvc = col_masks.sum(1).astype(jnp.float32)
    norm = -jnp.log(jnp.maximum(nvr + nvc, 1.0))
    log_mu = jnp.concatenate([jnp.where(row_masks, norm[:, None], -INF), (jnp.log(jnp.maximum(nvc, 1.0)) + norm)[:, None]], axis=1)
    log_nu = jnp.concatenate([jnp.where(col_masks, norm[:, None], -INF), (jnp.log(jnp.maximum(nvr, 1.0)) + norm)[:, None]], axis=1)

    def body(carry, _):
        u, v = carry
        u = log_mu - jax.nn.logsumexp(padded + v[:, None, :], axis=2)
        v = log_nu - jax.nn.logsumexp(padded + u[:, :, None], axis=1)
        return (u, v), None

    (u, v), _ = jax.lax.scan(body, (jnp.zeros_like(log_mu), jnp.zeros_like(log_nu)), None, length=num_iter)
    return padded + u[:, :, None] + v[:, None, :] - norm[:, None, None]


def reference(ref_points_f, src_points_f, ref_points_c, src_points_c,
              ref_feats_f, src_feats_f, ref_feats_c, src_feats_c, alpha):
    k = NUM_POINTS_IN_PATCH
    ref_node_masks, ref_knn_idx, ref_knn_masks = _point_to_node_partition(ref_points_f, ref_points_c, k)
    src_node_masks, src_knn_idx, src_knn_masks = _point_to_node_partition(src_points_f, src_points_c, k)

    ref_padded_points = jnp.concatenate([ref_points_f, jnp.zeros((1, 3), jnp.float32)], axis=0)
    src_padded_points = jnp.concatenate([src_points_f, jnp.zeros((1, 3), jnp.float32)], axis=0)

    # coarse superpoint matching (no-grad in original)
    rfn = ref_feats_c / (jnp.linalg.norm(ref_feats_c, axis=1, keepdims=True) + 1e-12)
    sfn = src_feats_c / (jnp.linalg.norm(src_feats_c, axis=1, keepdims=True) + 1e-12)
    dist = jnp.maximum(2.0 - 2.0 * (rfn @ sfn.T), 0.0)
    scores = jnp.exp(-dist)
    if DUAL_NORMALIZATION:
        scores = (scores / scores.sum(1, keepdims=True)) * (scores / scores.sum(0, keepdims=True))
    pair_mask = ref_node_masks[:, None] & src_node_masks[None, :]
    scores = jnp.where(pair_mask, scores, 0.0)
    scores = jax.lax.stop_gradient(scores)
    node_corr_scores, corr_idx = jax.lax.top_k(scores.reshape(-1), NUM_CORRESPONDENCES)
    Mc = src_feats_c.shape[0]
    ref_corr = corr_idx // Mc
    src_corr = corr_idx % Mc

    ref_ck_idx = ref_knn_idx[ref_corr]
    src_ck_idx = src_knn_idx[src_corr]
    ref_ck_masks = ref_knn_masks[ref_corr]
    src_ck_masks = src_knn_masks[src_corr]
    ref_ck_points = ref_padded_points[ref_ck_idx]
    src_ck_points = src_padded_points[src_ck_idx]

    ref_padded_feats = jnp.concatenate([ref_feats_f, jnp.zeros((1, ref_feats_f.shape[1]), jnp.float32)], axis=0)
    src_padded_feats = jnp.concatenate([src_feats_f, jnp.zeros((1, src_feats_f.shape[1]), jnp.float32)], axis=0)
    ref_ck_feats = ref_padded_feats[ref_ck_idx]  # [C, k, d]
    src_ck_feats = src_padded_feats[src_ck_idx]  # [C, k, d]

    matching_scores = jnp.einsum('bnd,bmd->bnm', ref_ck_feats, src_ck_feats) / (float(ref_feats_f.shape[1]) ** 0.5)
    matching_scores = _sinkhorn(matching_scores, ref_ck_masks, src_ck_masks, alpha, NUM_SINKHORN_ITERATIONS)
    return matching_scores, node_corr_scores, ref_corr, src_corr, ref_ck_points, src_ck_points

if __name__ == "__main__":
    import jax
    _d = setup_inputs()
    print(jax.jit(kernel)(*tuple(_d.values())))

</pallas_src>

<mosaic_0001>
#map = affine_map<(d0, d1) -> (0, 0)>
module attributes {stable_mosaic.version = 14 : i64} {
  func.func @_sc_gather_kernel(%arg0: i32, %arg1: i32, %arg2: memref<16385x384xf32, #tpu.memory_space<hbm>>, %arg3: memref<16385x384xf32, #tpu.memory_space<hbm>>, %arg4: memref<256x64xi32, #tpu.memory_space<hbm>>, %arg5: memref<256x64xi32, #tpu.memory_space<hbm>>, %arg6: memref<16384x384xf32, #tpu.memory_space<hbm>>, %arg7: memref<16384x384xf32, #tpu.memory_space<hbm>>, %arg8: memref<8x64xi32, #tpu.memory_space<vmem>>, %arg9: memref<8x64xi32, #tpu.memory_space<vmem>>, %arg10: memref<64x384xf32, #tpu.memory_space<vmem>>, %arg11: memref<64x384xf32, #tpu.memory_space<vmem>>, %arg12: memref<!tpu.dma_semaphore, #tpu.memory_space<semaphore_mem>>, %arg13: memref<!tpu.dma_semaphore, #tpu.memory_space<semaphore_mem>>) attributes {dimension_semantics = [#tpu.dimension_semantics<core_parallel>, #tpu.dimension_semantics<subcore_parallel>], iteration_bounds = array<i64: 2, 16>, scalar_prefetch = 0 : i64, scratch_operands = 6 : i64, tpu.core_type = #tpu.core_type<sc_vector_subcore>, window_params = [{transform_indices = #map}, {transform_indices = #map}, {transform_indices = #map}, {transform_indices = #map}, {transform_indices = #map}, {transform_indices = #map}]} {
    %mul3A = arith.constant 2 : i32
    %mul3A_0 = arith.muli %arg1, %mul3A : i32
    %add3A = arith.addi %mul3A_0, %arg0 : i32
    %mul3A_1 = arith.constant 8 : i32
    %mul3A_2 = arith.muli %add3A, %mul3A_1 : i32
    %mul3A_3 = arith.constant 512 : i32
    %mul3A_4 = arith.muli %add3A, %mul3A_3 : i32
    "tpu.region"() ({
      %run_scoped3A = tpu.sem_alloc : memref<!tpu.dma_semaphore, #tpu.memory_space<semaphore_mem>>
      %dma_start3A = arith.constant 0 : i32
      %dma_start3A_9 = tpu.memref_slice %arg4[%mul3A_2, %dma_start3A] : memref<256x64xi32, #tpu.memory_space<hbm>> -> memref<8x64xi32, #tpu.memory_space<hbm>>
      %dma_start3A_10 = arith.constant 0 : i32
      %dma_start3A_11 = tpu.memref_slice %arg4[%mul3A_2, %dma_start3A_10] : memref<256x64xi32, #tpu.memory_space<hbm>> -> memref<8x64xi32, #tpu.memory_space<hbm>>
      tpu.enqueue_dma source(%dma_start3A_11 : memref<8x64xi32, #tpu.memory_space<hbm>>) target(%arg8 : memref<8x64xi32, #tpu.memory_space<vmem>>) target_semaphore(%run_scoped3A : memref<!tpu.dma_semaphore, #tpu.memory_space<semaphore_mem>>)
      %dma_wait3A = arith.constant 0 : i32
      %dma_wait3A_12 = tpu.memref_slice %arg4[%mul3A_2, %dma_wait3A] : memref<256x64xi32, #tpu.memory_space<hbm>> -> memref<8x64xi32, #tpu.memory_space<hbm>>
      %dma_wait3A_13 = arith.constant 0 : i32
      %dma_wait3A_14 = tpu.memref_slice %arg4[%mul3A_2, %dma_wait3A_13] : memref<256x64xi32, #tpu.memory_space<hbm>> -> memref<8x64xi32, #tpu.memory_space<hbm>>
      tpu.wait_dma2 semaphore(%run_scoped3A : memref<!tpu.dma_semaphore, #tpu.memory_space<semaphore_mem>>) src(%dma_wait3A_14 : memref<8x64xi32, #tpu.memory_space<hbm>>) dst(%arg8 : memref<8x64xi32, #tpu.memory_space<vmem>>)
      tpu.yield
    }) : () -> ()
    "tpu.region"() ({
      %run_scoped3A = tpu.sem_alloc : memref<!tpu.dma_semaphore, #tpu.memory_space<semaphore_mem>>
      %dma_start3A = arith.constant 0 : i32
      %dma_start3A_9 = tpu.memref_slice %arg5[%mul3A_2, %dma_start3A] : memref<256x64xi32, #tpu.memory_space<hbm>> -> memref<8x64xi32, #tpu.memory_space<hbm>>
      %dma_start3A_10 = arith.constant 0 : i32
      %dma_start3A_11 = tpu.memref_slice %arg5[%mul3A_2, %dma_start3A_10] : memref<256x64xi32, #tpu.memory_space<hbm>> -> memref<8x64xi32, #tpu.memory_space<hbm>>
      tpu.enqueue_dma source(%dma_start3A_11 : memref<8x64xi32, #tpu.memory_space<hbm>>) target(%arg9 : memref<8x64xi32, #tpu.memory_space<vmem>>) target_semaphore(%run_scoped3A : memref<!tpu.dma_semaphore, #tpu.memory_space<semaphore_mem>>)
      %dma_wait3A = arith.constant 0 : i32
      %dma_wait3A_12 = tpu.memref_slice %arg5[%mul3A_2, %dma_wait3A] : memref<256x64xi32, #tpu.memory_space<hbm>> -> memref<8x64xi32, #tpu.memory_space<hbm>>
      %dma_wait3A_13 = arith.constant 0 : i32
      %dma_wait3A_14 = tpu.memref_slice %arg5[%mul3A_2, %dma_wait3A_13] : memref<256x64xi32, #tpu.memory_space<hbm>> -> memref<8x64xi32, #tpu.memory_space<hbm>>
      tpu.wait_dma2 semaphore(%run_scoped3A : memref<!tpu.dma_semaphore, #tpu.memory_space<semaphore_mem>>) src(%dma_wait3A_14 : memref<8x64xi32, #tpu.memory_space<hbm>>) dst(%arg9 : memref<8x64xi32, #tpu.memory_space<vmem>>)
      tpu.yield
    }) : () -> ()
    %scan3A = arith.constant 0 : i32
    %scan3A_5 = arith.constant 8 : i32
    %scan3A_6 = arith.addi %scan3A, %scan3A_5 : i32
    %scan3A_7 = arith.constant 1 : i32
    scf.for %scan3A_9 = %scan3A to %scan3A_6 step %scan3A_7  : i32 {
      %dma_start3A = arith.constant 0 : i32
      %dma_start3A_10 = tpu.memref_slice %arg8[%scan3A_9, %dma_start3A] : memref<8x64xi32, #tpu.memory_space<vmem>> -> memref<1x64xi32, #tpu.memory_space<vmem>>
      %dma_start3A_11 = tpu.memref_squeeze %dma_start3A_10 : memref<1x64xi32, #tpu.memory_space<vmem>> -> memref<64xi32, #tpu.memory_space<vmem>>
      %dma_start3A_12 = arith.constant 0 : i32
      %dma_start3A_13 = arith.constant 0 : i32
      %dma_start3A_14 = tpu.memref_slice %arg2[%dma_start3A_12, %dma_start3A_13] : memref<16385x384xf32, #tpu.memory_space<hbm>> -> memref<16385x384xf32, #tpu.memory_space<hbm>>
      tpu.enqueue_indirect_dma source(%dma_start3A_14 : memref<16385x384xf32, #tpu.memory_space<hbm>>) target(%arg10 : memref<64x384xf32, #tpu.memory_space<vmem>>) offsets(%dma_start3A_11 : memref<64xi32, #tpu.memory_space<vmem>>) semaphore(%arg12 : memref<!tpu.dma_semaphore, #tpu.memory_space<semaphore_mem>>)
      %dma_start3A_15 = arith.constant 0 : i32
      %dma_start3A_16 = tpu.memref_slice %arg9[%scan3A_9, %dma_start3A_15] : memref<8x64xi32, #tpu.memory_space<vmem>> -> memref<1x64xi32, #tpu.memory_space<vmem>>
      %dma_start3A_17 = tpu.memref_squeeze %dma_start3A_16 : memref<1x64xi32, #tpu.memory_space<vmem>> -> memref<64xi32, #tpu.memory_space<vmem>>
      %dma_start3A_18 = arith.constant 0 : i32
      %dma_start3A_19 = arith.constant 0 : i32
      %dma_start3A_20 = tpu.memref_slice %arg3[%dma_start3A_18, %dma_start3A_19] : memref<16385x384xf32, #tpu.memory_space<hbm>> -> memref<16385x384xf32, #tpu.memory_space<hbm>>
      tpu.enqueue_indirect_dma source(%dma_start3A_20 : memref<16385x384xf32, #tpu.memory_space<hbm>>) target(%arg11 : memref<64x384xf32, #tpu.memory_space<vmem>>) offsets(%dma_start3A_17 : memref<64xi32, #tpu.memory_space<vmem>>) semaphore(%arg13 : memref<!tpu.dma_semaphore, #tpu.memory_space<semaphore_mem>>)
      %dma_wait3A = arith.constant 0 : i32
      %dma_wait3A_21 = tpu.memref_slice %arg8[%scan3A_9, %dma_wait3A] : memref<8x64xi32, #tpu.memory_space<vmem>> -> memref<1x64xi32, #tpu.memory_space<vmem>>
      %dma_wait3A_22 = tpu.memref_squeeze %dma_wait3A_21 : memref<1x64xi32, #tpu.memory_space<vmem>> -> memref<64xi32, #tpu.memory_space<vmem>>
      %dma_wait3A_23 = arith.constant 0 : i32
      %dma_wait3A_24 = arith.constant 0 : i32
      %dma_wait3A_25 = tpu.memref_slice %arg2[%dma_wait3A_23, %dma_wait3A_24] : memref<16385x384xf32, #tpu.memory_space<hbm>> -> memref<16385x384xf32, #tpu.memory_space<hbm>>
      tpu.wait_indirect_dma semaphore(%arg12 : memref<!tpu.dma_semaphore, #tpu.memory_space<semaphore_mem>>) src(%dma_wait3A_25 : memref<16385x384xf32, #tpu.memory_space<hbm>>) dst(%arg10 : memref<64x384xf32, #tpu.memory_space<vmem>>)
      %mul3A_26 = arith.constant 64 : i32
      %mul3A_27 = arith.muli %scan3A_9, %mul3A_26 : i32
      %add3A_28 = arith.addi %mul3A_4, %mul3A_27 : i32
      "tpu.region"() ({
        %run_scoped3A = tpu.sem_alloc : memref<!tpu.dma_semaphore, #tpu.memory_space<semaphore_mem>>
        %dma_start3A_38 = arith.constant 0 : i32
        %dma_start3A_39 = tpu.memref_slice %arg6[%add3A_28, %dma_start3A_38] : memref<16384x384xf32, #tpu.memory_space<hbm>> -> memref<64x384xf32, #tpu.memory_space<hbm>>
        %dma_start3A_40 = arith.constant 0 : i32
        %dma_start3A_41 = tpu.memref_slice %arg6[%add3A_28, %dma_start3A_40] : memref<16384x384xf32, #tpu.memory_space<hbm>> -> memref<64x384xf32, #tpu.memory_space<hbm>>
        tpu.enqueue_dma source(%arg10 : memref<64x384xf32, #tpu.memory_space<vmem>>) target(%dma_start3A_41 : memref<64x384xf32, #tpu.memory_space<hbm>>) target_semaphore(%run_scoped3A : memref<!tpu.dma_semaphore, #tpu.memory_space<semaphore_mem>>)
        %dma_wait3A_42 = arith.constant 0 : i32
        %dma_wait3A_43 = tpu.memref_slice %arg6[%add3A_28, %dma_wait3A_42] : memref<16384x384xf32, #tpu.memory_space<hbm>> -> memref<64x384xf32, #tpu.memory_space<hbm>>
        %dma_wait3A_44 = arith.constant 0 : i32
        %dma_wait3A_45 = tpu.memref_slice %arg6[%add3A_28, %dma_wait3A_44] : memref<16384x384xf32, #tpu.memory_space<hbm>> -> memref<64x384xf32, #tpu.memory_space<hbm>>
        tpu.wait_dma2 semaphore(%run_scoped3A : memref<!tpu.dma_semaphore, #tpu.memory_space<semaphore_mem>>) src(%arg10 : memref<64x384xf32, #tpu.memory_space<vmem>>) dst(%dma_wait3A_45 : memref<64x384xf32, #tpu.memory_space<hbm>>)
        tpu.yield
      }) : () -> ()
      %dma_wait3A_29 = arith.constant 0 : i32
      %dma_wait3A_30 = tpu.memref_slice %arg9[%scan3A_9, %dma_wait3A_29] : memref<8x64xi32, #tpu.memory_space<vmem>> -> memref<1x64xi32, #tpu.memory_space<vmem>>
      %dma_wait3A_31 = tpu.memref_squeeze %dma_wait3A_30 : memref<1x64xi32, #tpu.memory_space<vmem>> -> memref<64xi32, #tpu.memory_space<vmem>>
      %dma_wait3A_32 = arith.constant 0 : i32
      %dma_wait3A_33 = arith.constant 0 : i32
      %dma_wait3A_34 = tpu.memref_slice %arg3[%dma_wait3A_32, %dma_wait3A_33] : memref<16385x384xf32, #tpu.memory_space<hbm>> -> memref<16385x384xf32, #tpu.memory_space<hbm>>
      tpu.wait_indirect_dma semaphore(%arg13 : memref<!tpu.dma_semaphore, #tpu.memory_space<semaphore_mem>>) src(%dma_wait3A_34 : memref<16385x384xf32, #tpu.memory_space<hbm>>) dst(%arg11 : memref<64x384xf32, #tpu.memory_space<vmem>>)
      %mul3A_35 = arith.constant 64 : i32
      %mul3A_36 = arith.muli %scan3A_9, %mul3A_35 : i32
      %add3A_37 = arith.addi %mul3A_4, %mul3A_36 : i32
      "tpu.region"() ({
        %run_scoped3A = tpu.sem_alloc : memref<!tpu.dma_semaphore, #tpu.memory_space<semaphore_mem>>
        %dma_start3A_38 = arith.constant 0 : i32
        %dma_start3A_39 = tpu.memref_slice %arg7[%add3A_37, %dma_start3A_38] : memref<16384x384xf32, #tpu.memory_space<hbm>> -> memref<64x384xf32, #tpu.memory_space<hbm>>
        %dma_start3A_40 = arith.constant 0 : i32
        %dma_start3A_41 = tpu.memref_slice %arg7[%add3A_37, %dma_start3A_40] : memref<16384x384xf32, #tpu.memory_space<hbm>> -> memref<64x384xf32, #tpu.memory_space<hbm>>
        tpu.enqueue_dma source(%arg11 : memref<64x384xf32, #tpu.memory_space<vmem>>) target(%dma_start3A_41 : memref<64x384xf32, #tpu.memory_space<hbm>>) target_semaphore(%run_scoped3A : memref<!tpu.dma_semaphore, #tpu.memory_space<semaphore_mem>>)
        %dma_wait3A_42 = arith.constant 0 : i32
        %dma_wait3A_43 = tpu.memref_slice %arg7[%add3A_37, %dma_wait3A_42] : memref<16384x384xf32, #tpu.memory_space<hbm>> -> memref<64x384xf32, #tpu.memory_space<hbm>>
        %dma_wait3A_44 = arith.constant 0 : i32
        %dma_wait3A_45 = tpu.memref_slice %arg7[%add3A_37, %dma_wait3A_44] : memref<16384x384xf32, #tpu.memory_space<hbm>> -> memref<64x384xf32, #tpu.memory_space<hbm>>
        tpu.wait_dma2 semaphore(%run_scoped3A : memref<!tpu.dma_semaphore, #tpu.memory_space<semaphore_mem>>) src(%arg11 : memref<64x384xf32, #tpu.memory_space<vmem>>) dst(%dma_wait3A_45 : memref<64x384xf32, #tpu.memory_space<hbm>>)
        tpu.yield
      }) : () -> ()
    }
    %scan3A_8 = arith.constant 8 : i32
    return
  }
}

module attributes {stable_mosaic.version = 14 : i64} {
  func.func @_knn_kernel(%arg0: i32, %arg1: memref<8x16384xf32, #tpu.memory_space<vmem>>, %arg2: memref<8x64xi32, #tpu.memory_space<vmem>>, %arg3: memref<1x16384xi32, #tpu.memory_space<vmem>>, %arg4: memref<1x16384xf32, #tpu.memory_space<vmem>>, %arg5: memref<1x16384xi32, #tpu.memory_space<vmem>>) attributes {dimension_semantics = [#tpu.dimension_semantics<arbitrary>], iteration_bounds = array<i64: 64>, scalar_prefetch = 0 : i64, scratch_operands = 2 : i64, tpu.core_type = #tpu.core_type<tc>, window_params = [{transform_indices = @transform_0, window_bounds = array<i64: 8, 16384>}, {transform_indices = @transform_1, window_bounds = array<i64: 8, 64>}, {pipeline_mode = #tpu.pipeline_mode<synchronous>, transform_indices = @transform_2, window_bounds = array<i64: 1, 16384>}]} {
    %get3A = arith.constant 0 : index
    %get3A_0 = arith.constant 0 : index
    %get3A_1 = vector.load %arg1[%get3A, %get3A_0] : memref<8x16384xf32, #tpu.memory_space<vmem>>, vector<8x16384xf32>
    %iota3A = tpu.iota {dimensions = array<i32: 1>} : vector<8x16384xi32>
    %iota3A_2 = tpu.iota {dimensions = array<i32: 0>} : vector<8x16384xi32>
    %reduce_min3A = arith.constant dense<0x7F800000> : vector<16384xf32>
    %reduce_min3A_3 = vector.multi_reduction <minimumf>, %get3A_1, %reduce_min3A [0] : vector<8x16384xf32> to vector<16384xf32>
    %broadcast_in_dim3A = vector.shape_cast %reduce_min3A_3 : vector<16384xf32> to vector<1x16384xf32>
    %eq3A = vector.broadcast %broadcast_in_dim3A : vector<1x16384xf32> to vector<8x16384xf32>
    %eq3A_4 = arith.cmpf oeq, %get3A_1, %eq3A : vector<8x16384xf32>
    %jit3A = arith.constant 16777216 : i32
    %broadcast_in_dim3A_5 = vector.broadcast %jit3A : i32 to vector<8x16384xi32>
    %select_n3A = arith.select %eq3A_4, %iota3A_2, %broadcast_in_dim3A_5 : vector<8x16384xi1>, vector<8x16384xi32>
    %reduce_min3A_6 = arith.constant dense<2147483647> : vector<16384xi32>
    %reduce_min3A_7 = vector.multi_reduction <minsi>, %select_n3A, %reduce_min3A_6 [0] : vector<8x16384xi32> to vector<16384xi32>
    %broadcast_in_dim3A_8 = vector.shape_cast %reduce_min3A_7 : vector<16384xi32> to vector<1x16384xi32>
    %mul3A = arith.constant 8 : i32
    %mul3A_9 = arith.muli %mul3A, %arg0 : i32
    %add3A = vector.broadcast %mul3A_9 : i32 to vector<1x16384xi32>
    %add3A_10 = arith.addi %broadcast_in_dim3A_8, %add3A : vector<1x16384xi32>
    %eq3A_11 = arith.constant 0 : i32
    %eq3A_12 = arith.cmpi eq, %arg0, %eq3A_11 : i32
    %convert_element_type3A = arith.extui %eq3A_12 : i1 to i32
    %cond3A = arith.constant 0 : i32
    %cond3A_13 = arith.cmpi ne, %convert_element_type3A, %cond3A : i32
    scf.if %cond3A_13 {
      %swap3A_33 = arith.constant 0 : index
      %swap3A_34 = arith.constant 0 : index
      %swap3A_35 = vector.load %arg4[%swap3A_33, %swap3A_34] : memref<1x16384xf32, #tpu.memory_space<vmem>>, vector<1x16384xf32>
      tpu.vector_store %arg4[%swap3A_33, %swap3A_34], %broadcast_in_dim3A {strides = array<i32>} : memref<1x16384xf32, #tpu.memory_space<vmem>>, vector<1x16384xf32>,
      %swap3A_36 = arith.constant 0 : index
      %swap3A_37 = arith.constant 0 : index
      %swap3A_38 = vector.load %arg5[%swap3A_36, %swap3A_37] : memref<1x16384xi32, #tpu.memory_space<vmem>>, vector<1x16384xi32>
      tpu.vector_store %arg5[%swap3A_36, %swap3A_37], %add3A_10 {strides = array<i32>} : memref<1x16384xi32, #tpu.memory_space<vmem>>, vector<1x16384xi32>,
    } else {
    }
    %gt3A = arith.constant 0 : i32
    %gt3A_14 = arith.cmpi sgt, %arg0, %gt3A : i32
    %convert_element_type3A_15 = arith.extui %gt3A_14 : i1 to i32
    %cond3A_16 = arith.constant 0 : i32
    %cond3A_17 = arith.cmpi ne, %convert_element_type3A_15, %cond3A_16 : i32
    scf.if %cond3A_17 {
      %get3A_33 = arith.constant 0 : index
      %get3A_34 = arith.constant 0 : index
      %get3A_35 = vector.load %arg4[%get3A_33, %get3A_34] : memref<1x16384xf32, #tpu.memory_space<vmem>>, vector<1x16384xf32>
      %lt3A = arith.cmpf olt, %broadcast_in_dim3A, %get3A_35 : vector<1x16384xf32>
      %select_n3A_36 = arith.select %lt3A, %broadcast_in_dim3A, %get3A_35 : vector<1x16384xi1>, vector<1x16384xf32>
      %swap3A_37 = arith.constant 0 : index
      %swap3A_38 = arith.constant 0 : index
      %swap3A_39 = vector.load %arg4[%swap3A_37, %swap3A_38] : memref<1x16384xf32, #tpu.memory_space<vmem>>, vector<1x16384xf32>
      tpu.vector_store %arg4[%swap3A_37, %swap3A_38], %select_n3A_36 {strides = array<i32>} : memref<1x16384xf32, #tpu.memory_space<vmem>>, vector<1x16384xf32>,
      %get3A_40 = arith.constant 0 : index
      %get3A_41 = arith.constant 0 : index
      %get3A_42 = vector.load %arg5[%get3A_40, %get3A_41] : memref<1x16384xi32, #tpu.memory_space<vmem>>, vector<1x16384xi32>
      %select_n3A_43 = arith.select %lt3A, %add3A_10, %get3A_42 : vector<1x16384xi1>, vector<1x16384xi32>
      %swap3A_44 = arith.constant 0 : index
      %swap3A_45 = arith.constant 0 : index
      %swap3A_46 = vector.load %arg5[%swap3A_44, %swap3A_45] : memref<1x16384xi32, #tpu.memory_space<vmem>>, vector<1x16384xi32>
      tpu.vector_store %arg5[%swap3A_44, %swap3A_45], %select_n3A_43 {strides = array<i32>} : memref<1x16384xi32, #tpu.memory_space<vmem>>, vector<1x16384xi32>,
    } else {
    }
    %eq3A_18 = arith.constant 63 : i32
    %eq3A_19 = arith.cmpi eq, %arg0, %eq3A_18 : i32
    %convert_element_type3A_20 = arith.extui %eq3A_19 : i1 to i32
    %cond3A_21 = arith.constant 0 : i32
    %cond3A_22 = arith.cmpi ne, %convert_element_type3A_20, %cond3A_21 : i32
    scf.if %cond3A_22 {
      %get3A_33 = arith.constant 0 : index
      %get3A_34 = arith.constant 0 : index
      %get3A_35 = vector.load %arg5[%get3A_33, %get3A_34] : memref<1x16384xi32, #tpu.memory_space<vmem>>, vector<1x16384xi32>
      %swap3A_36 = arith.constant 0 : index
      %swap3A_37 = arith.constant 0 : index
      %swap3A_38 = vector.load %arg3[%swap3A_36, %swap3A_37] : memref<1x16384xi32, #tpu.memory_space<vmem>>, vector<1x16384xi32>
      tpu.vector_store %arg3[%swap3A_36, %swap3A_37], %get3A_35 {strides = array<i32>} : memref<1x16384xi32, #tpu.memory_space<vmem>>, vector<1x16384xi32>,
    } else {
    }
    %iota3A_23 = tpu.iota {dimensions = array<i32: 1>} : vector<8x64xi32>
    %broadcast_in_dim3A_24 = arith.constant 0 : i32
    %broadcast_in_dim3A_25 = vector.broadcast %broadcast_in_dim3A_24 : i32 to vector<8x64xi32>
    %scan3A = arith.constant 0 : i32
    %scan3A_26 = arith.constant 64 : i32
    %scan3A_27 = arith.addi %scan3A, %scan3A_26 : i32
    %scan3A_28 = arith.constant 8 : i32
    %scan3A_29:2 = scf.for %scan3A_33 = %scan3A to %scan3A_27 step %scan3A_28 iter_args(%scan3A_34 = %get3A_1, %scan3A_35 = %broadcast_in_dim3A_25) -> (vector<8x16384xf32>, vector<8x64xi32>)  : i32 {
      %slice3A = vector.extract_strided_slice %scan3A_34 {offsets = [0, 0], sizes = [8, 8192], strides = [1, 1]} : vector<8x16384xf32> to vector<8x8192xf32>
      %slice3A_36 = vector.extract_strided_slice %scan3A_34 {offsets = [0, 8192], sizes = [8, 8192], strides = [1, 1]} : vector<8x16384xf32> to vector<8x8192xf32>
      %slice3A_37 = vector.extract_strided_slice %iota3A {offsets = [0, 0], sizes = [8, 8192], strides = [1, 1]} : vector<8x16384xi32> to vector<8x8192xi32>
      %slice3A_38 = vector.extract_strided_slice %iota3A {offsets = [0, 8192], sizes = [8, 8192], strides = [1, 1]} : vector<8x16384xi32> to vector<8x8192xi32>
      %lt3A = arith.cmpf olt, %slice3A_36, %slice3A : vector<8x8192xf32>
      %select_n3A_39 = arith.select %lt3A, %slice3A_36, %slice3A : vector<8x8192xi1>, vector<8x8192xf32>
      %select_n3A_40 = arith.select %lt3A, %slice3A_38, %slice3A_37 : vector<8x8192xi1>, vector<8x8192xi32>
      %slice3A_41 = vector.extract_strided_slice %select_n3A_39 {offsets = [0, 0], sizes = [8, 4096], strides = [1, 1]} : vector<8x8192xf32> to vector<8x4096xf32>
      %slice3A_42 = vector.extract_strided_slice %select_n3A_39 {offsets = [0, 4096], sizes = [8, 4096], strides = [1, 1]} : vector<8x8192xf32> to vector<8x4096xf32>
      %slice3A_43 = vector.extract_strided_slice %select_n3A_40 {offsets = [0, 0], sizes = [8, 4096], strides = [1, 1]} : vector<8x8192xi32> to vector<8x4096xi32>
      %slice3A_44 = vector.extract_strided_slice %select_n3A_40 {offsets = [0, 4096], sizes = [8, 4096], strides = [1, 1]} : vector<8x8192xi32> to vector<8x4096xi32>
      %lt3A_45 = arith.cmpf olt, %slice3A_42, %slice3A_41 : vector<8x4096xf32>
      %select_n3A_46 = arith.select %lt3A_45, %slice3A_42, %slice3A_41 : vector<8x4096xi1>, vector<8x4096xf32>
      %select_n3A_47 = arith.select %lt3A_45, %slice3A_44, %slice3A_43 : vector<8x4096xi1>, vector<8x4096xi32>
      %slice3A_48 = vector.extract_strided_slice %select_n3A_46 {offsets = [0, 0], sizes = [8, 2048], strides = [1, 1]} : vector<8x4096xf32> to vector<8x2048xf32>
      %slice3A_49 = vector.extract_strided_slice %select_n3A_46 {offsets = [0, 2048], sizes = [8, 2048], strides = [1, 1]} : vector<8x4096xf32> to vector<8x2048xf32>
      %slice3A_50 = vector.extract_strided_slice %select_n3A_47 {offsets = [0, 0], sizes = [8, 2048], strides = [1, 1]} : vector<8x4096xi32> to vector<8x2048xi32>
      %slice3A_51 = vector.extract_strided_slice %select_n3A_47 {offsets = [0, 2048], sizes = [8, 2048], strides = [1, 1]} : vector<8x4096xi32> to vector<8x2048xi32>
      %lt3A_52 = arith.cmpf olt, %slice3A_49, %slice3A_48 : vector<8x2048xf32>
      %select_n3A_53 = arith.select %lt3A_52, %slice3A_49, %slice3A_48 : vector<8x2048xi1>, vector<8x2048xf32>
      %select_n3A_54 = arith.select %lt3A_52, %slice3A_51, %slice3A_50 : vector<8x2048xi1>, vector<8x2048xi32>
      %slice3A_55 = vector.extract_strided_slice %select_n3A_53 {offsets = [0, 0], sizes = [8, 1024], strides = [1, 1]} : vector<8x2048xf32> to vector<8x1024xf32>
      %slice3A_56 = vector.extract_strided_slice %select_n3A_53 {offsets = [0, 1024], sizes = [8, 1024], strides = [1, 1]} : vector<8x2048xf32> to vector<8x1024xf32>
      %slice3A_57 = vector.extract_strided_slice %select_n3A_54 {offsets = [0, 0], sizes = [8, 1024], strides = [1, 1]} : vector<8x2048xi32> to vector<8x1024xi32>
      %slice3A_58 = vector.extract_strided_slice %select_n3A_54 {offsets = [0, 1024], sizes = [8, 1024], strides = [1, 1]} : vector<8x2048xi32> to vector<8x1024xi32>
      %lt3A_59 = arith.cmpf olt, %slice3A_56, %slice3A_55 : vector<8x1024xf32>
      %select_n3A_60 = arith.select %lt3A_59, %slice3A_56, %slice3A_55 : vector<8x1024xi1>, vector<8x1024xf32>
      %select_n3A_61 = arith.select %lt3A_59, %slice3A_58, %slice3A_57 : vector<8x1024xi1>, vector<8x1024xi32>
      %slice3A_62 = vector.extract_strided_slice %select_n3A_60 {offsets = [0, 0], sizes = [8, 512], strides = [1, 1]} : vector<8x1024xf32> to vector<8x512xf32>
      %slice3A_63 = vector.extract_strided_slice %select_n3A_60 {offsets = [0, 512], sizes = [8, 512], strides = [1, 1]} : vector<8x1024xf32> to vector<8x512xf32>
      %slice3A_64 = vector.extract_strided_slice %select_n3A_61 {offsets = [0, 0], sizes = [8, 512], strides = [1, 1]} : vector<8x1024xi32> to vector<8x512xi32>
      %slice3A_65 = vector.extract_strided_slice %select_n3A_61 {offsets = [0, 512], sizes = [8, 512], strides = [1, 1]} : vector<8x1024xi32> to vector<8x512xi32>
      %lt3A_66 = arith.cmpf olt, %slice3A_63, %slice3A_62 : vector<8x512xf32>
      %select_n3A_67 = arith.select %lt3A_66, %slice3A_63, %slice3A_62 : vector<8x512xi1>, vector<8x512xf32>
      %select_n3A_68 = arith.select %lt3A_66, %slice3A_65, %slice3A_64 : vector<8x512xi1>, vector<8x512xi32>
      %slice3A_69 = vector.extract_strided_slice %select_n3A_67 {offsets = [0, 0], sizes = [8, 256], strides = [1, 1]} : vector<8x512xf32> to vector<8x256xf32>
      %slice3A_70 = vector.extract_strided_slice %select_n3A_67 {offsets = [0, 256], sizes = [8, 256], strides = [1, 1]} : vector<8x512xf32> to vector<8x256xf32>
      %slice3A_71 = vector.extract_strided_slice %select_n3A_68 {offsets = [0, 0], sizes = [8, 256], strides = [1, 1]} : vector<8x512xi32> to vector<8x256xi32>
      %slice3A_72 = vector.extract_strided_slice %select_n3A_68 {offsets = [0, 256], sizes = [8, 256], strides = [1, 1]} : vector<8x512xi32> to vector<8x256xi32>
      %lt3A_73 = arith.cmpf olt, %slice3A_70, %slice3A_69 : vector<8x256xf32>
      %select_n3A_74 = arith.select %lt3A_73, %slice3A_70, %slice3A_69 : vector<8x256xi1>, vector<8x256xf32>
      %select_n3A_75 = arith.select %lt3A_73, %slice3A_72, %slice3A_71 : vector<8x256xi1>, vector<8x256xi32>
      %slice3A_76 = vector.extract_strided_slice %select_n3A_74 {offsets = [0, 0], sizes = [8, 128], strides = [1, 1]} : vector<8x256xf32> to vector<8x128xf32>
      %slice3A_77 = vector.extract_strided_slice %select_n3A_74 {offsets = [0, 128], sizes = [8, 128], strides = [1, 1]} : vector<8x256xf32> to vector<8x128xf32>
      %slice3A_78 = vector.extract_strided_slice %select_n3A_75 {offsets = [0, 0], sizes = [8, 128], strides = [1, 1]} : vector<8x256xi32> to vector<8x128xi32>
      %slice3A_79 = vector.extract_strided_slice %select_n3A_75 {offsets = [0, 128], sizes = [8, 128], strides = [1, 1]} : vector<8x256xi32> to vector<8x128xi32>
      %lt3A_80 = arith.cmpf olt, %slice3A_77, %slice3A_76 : vector<8x128xf32>
      %select_n3A_81 = arith.select %lt3A_80, %slice3A_77, %slice3A_76 : vector<8x128xi1>, vector<8x128xf32>
      %select_n3A_82 = arith.select %lt3A_80, %slice3A_79, %slice3A_78 : vector<8x128xi1>, vector<8x128xi32>
      %reduce_min3A_83 = arith.constant dense<0x7F800000> : vector<8xf32>
      %reduce_min3A_84 = vector.multi_reduction <minimumf>, %select_n3A_81, %reduce_min3A_83 [1] : vector<8x128xf32> to vector<8xf32>
      %broadcast_in_dim3A_85 = vector.shape_cast %reduce_min3A_84 : vector<8xf32> to vector<8x1xf32>
      %eq3A_86 = vector.broadcast %broadcast_in_dim3A_85 : vector<8x1xf32> to vector<8x128xf32>
      %eq3A_87 = arith.cmpf oeq, %select_n3A_81, %eq3A_86 : vector<8x128xf32>
      %jit3A_88 = arith.constant 16777216 : i32
      %broadcast_in_dim3A_89 = vector.broadcast %jit3A_88 : i32 to vector<8x128xi32>
      %select_n3A_90 = arith.select %eq3A_87, %select_n3A_82, %broadcast_in_dim3A_89 : vector<8x128xi1>, vector<8x128xi32>
      %reduce_min3A_91 = arith.constant dense<2147483647> : vector<8xi32>
      %reduce_min3A_92 = vector.multi_reduction <minsi>, %select_n3A_90, %reduce_min3A_91 [1] : vector<8x128xi32> to vector<8xi32>
      %broadcast_in_dim3A_93 = vector.shape_cast %reduce_min3A_92 : vector<8xi32> to vector<8x1xi32>
      %eq3A_94 = vector.broadcast %scan3A_33 : i32 to vector<8x64xi32>
      %eq3A_95 = arith.cmpi eq, %iota3A_23, %eq3A_94 : vector<8x64xi32>
      %broadcast_in_dim3A_96 = vector.shape_cast %broadcast_in_dim3A_93 : vector<8x1xi32> to vector<8x1xi32>
      %broadcast_in_dim3A_97 = vector.broadcast %broadcast_in_dim3A_96 : vector<8x1xi32> to vector<8x64xi32>
      %select_n3A_98 = arith.select %eq3A_95, %broadcast_in_dim3A_97, %scan3A_35 : vector<8x64xi1>, vector<8x64xi32>
      %eq3A_99 = vector.broadcast %broadcast_in_dim3A_93 : vector<8x1xi32> to vector<8x16384xi32>
      %eq3A_100 = arith.cmpi eq, %iota3A, %eq3A_99 : vector<8x16384xi32>
      %jit3A_101 = arith.constant 9.99999995E+11 : f32
      %broadcast_in_dim3A_102 = vector.broadcast %jit3A_101 : f32 to vector<8x16384xf32>
      %select_n3A_103 = arith.select %eq3A_100, %broadcast_in_dim3A_102, %scan3A_34 : vector<8x16384xi1>, vector<8x16384xf32>
      %scan3A_104 = arith.constant 1 : i32
      %scan3A_105 = arith.addi %scan3A_33, %scan3A_104 : i32
      %slice3A_106 = vector.extract_strided_slice %select_n3A_103 {offsets = [0, 0], sizes = [8, 8192], strides = [1, 1]} : vector<8x16384xf32> to vector<8x8192xf32>
      %slice3A_107 = vector.extract_strided_slice %select_n3A_103 {offsets = [0, 8192], sizes = [8, 8192], strides = [1, 1]} : vector<8x16384xf32> to vector<8x8192xf32>
      %slice3A_108 = vector.extract_strided_slice %iota3A {offsets = [0, 0], sizes = [8, 8192], strides = [1, 1]} : vector<8x16384xi32> to vector<8x8192xi32>
      %slice3A_109 = vector.extract_strided_slice %iota3A {offsets = [0, 8192], sizes = [8, 8192], strides = [1, 1]} : vector<8x16384xi32> to vector<8x8192xi32>
      %lt3A_110 = arith.cmpf olt, %slice3A_107, %slice3A_106 : vector<8x8192xf32>
      %select_n3A_111 = arith.select %lt3A_110, %slice3A_107, %slice3A_106 : vector<8x8192xi1>, vector<8x8192xf32>
      %select_n3A_112 = arith.select %lt3A_110, %slice3A_109, %slice3A_108 : vector<8x8192xi1>, vector<8x8192xi32>
      %slice3A_113 = vector.extract_strided_slice %select_n3A_111 {offsets = [0, 0], sizes = [8, 4096], strides = [1, 1]} : vector<8x8192xf32> to vector<8x4096xf32>
      %slice3A_114 = vector.extract_strided_slice %select_n3A_111 {offsets = [0, 4096], sizes = [8, 4096], strides = [1, 1]} : vector<8x8192xf32> to vector<8x4096xf32>
      %slice3A_115 = vector.extract_strided_slice %select_n3A_112 {offsets = [0, 0], sizes = [8, 4096], strides = [1, 1]} : vector<8x8192xi32> to vector<8x4096xi32>
      %slice3A_116 = vector.extract_strided_slice %select_n3A_112 {offsets = [0, 4096], sizes = [8, 4096], strides = [1, 1]} : vector<8x8192xi32> to vector<8x4096xi32>
      %lt3A_117 = arith.cmpf olt, %slice3A_114, %slice3A_113 : vector<8x4096xf32>
      %select_n3A_118 = arith.select %lt3A_117, %slice3A_114, %slice3A_113 : vector<8x4096xi1>, vector<8x4096xf32>
      %select_n3A_119 = arith.select %lt3A_117, %slice3A_116, %slice3A_115 : vector<8x4096xi1>, vector<8x4096xi32>
      %slice3A_120 = vector.extract_strided_slice %select_n3A_118 {offsets = [0, 0], sizes = [8, 2048], strides = [1, 1]} : vector<8x4096xf32> to vector<8x2048xf32>
      %slice3A_121 = vector.extract_strided_slice %select_n3A_118 {offsets = [0, 2048], sizes = [8, 2048], strides = [1, 1]} : vector<8x4096xf32> to vector<8x2048xf32>
      %slice3A_122 = vector.extract_strided_slice %select_n3A_119 {offsets = [0, 0], sizes = [8, 2048], strides = [1, 1]} : vector<8x4096xi32> to vector<8x2048xi32>
      %slice3A_123 = vector.extract_strided_slice %select_n3A_119 {offsets = [0, 2048], sizes = [8, 2048], strides = [1, 1]} : vector<8x4096xi32> to vector<8x2048xi32>
      %lt3A_124 = arith.cmpf olt, %slice3A_121, %slice3A_120 : vector<8x2048xf32>
      %select_n3A_125 = arith.select %lt3A_124, %slice3A_121, %slice3A_120 : vector<8x2048xi1>, vector<8x2048xf32>
      %select_n3A_126 = arith.select %lt3A_124, %slice3A_123, %slice3A_122 : vector<8x2048xi1>, vector<8x2048xi32>
      %slice3A_127 = vector.extract_strided_slice %select_n3A_125 {offsets = [0, 0], sizes = [8, 1024], strides = [1, 1]} : vector<8x2048xf32> to vector<8x1024xf32>
      %slice3A_128 = vector.extract_strided_slice %select_n3A_125 {offsets = [0, 1024], sizes = [8, 1024], strides = [1, 1]} : vector<8x2048xf32> to vector<8x1024xf32>
      %slice3A_129 = vector.extract_strided_slice %select_n3A_126 {offsets = [0, 0], sizes = [8, 1024], strides = [1, 1]} : vector<8x2048xi32> to vector<8x1024xi32>
      %slice3A_130 = vector.extract_strided_slice %select_n3A_126 {offsets = [0, 1024], sizes = [8, 1024], strides = [1, 1]} : vector<8x2048xi32> to vector<8x1024xi32>
      %lt3A_131 = arith.cmpf olt, %slice3A_128, %slice3A_127 : vector<8x1024xf32>
      %select_n3A_132 = arith.select %lt3A_131, %slice3A_128, %slice3A_127 : vector<8x1024xi1>, vector<8x1024xf32>
      %select_n3A_133 = arith.select %lt3A_131, %slice3A_130, %slice3A_129 : vector<8x1024xi1>, vector<8x1024xi32>
      %slice3A_134 = vector.extract_strided_slice %select_n3A_132 {offsets = [0, 0], sizes = [8, 512], strides = [1, 1]} : vector<8x1024xf32> to vector<8x512xf32>
      %slice3A_135 = vector.extract_strided_slice %select_n3A_132 {offsets = [0, 512], sizes = [8, 512], strides = [1, 1]} : vector<8x1024xf32> to vector<8x512xf32>
      %slice3A_136 = vector.extract_strided_slice %select_n3A_133 {offsets = [0, 0], sizes = [8, 512], strides = [1, 1]} : vector<8x1024xi32> to vector<8x512xi32>
      %slice3A_137 = vector.extract_strided_slice %select_n3A_133 {offsets = [0, 512], sizes = [8, 512], strides = [1, 1]} : vector<8x1024xi32> to vector<8x512xi32>
      %lt3A_138 = arith.cmpf olt, %slice3A_135, %slice3A_134 : vector<8x512xf32>
      %select_n3A_139 = arith.select %lt3A_138, %slice3A_135, %slice3A_134 : vector<8x512xi1>, vector<8x512xf32>
      %select_n3A_140 = arith.select %lt3A_138, %slice3A_137, %slice3A_136 : vector<8x512xi1>, vector<8x512xi32>
      %slice3A_141 = vector.extract_strided_slice %select_n3A_139 {offsets = [0, 0], sizes = [8, 256], strides = [1, 1]} : vector<8x512xf32> to vector<8x256xf32>
      %slice3A_142 = vector.extract_strided_slice %select_n3A_139 {offsets = [0, 256], sizes = [8, 256], strides = [1, 1]} : vector<8x512xf32> to vector<8x256xf32>
      %slice3A_143 = vector.extract_strided_slice %select_n3A_140 {offsets = [0, 0], sizes = [8, 256], strides = [1, 1]} : vector<8x512xi32> to vector<8x256xi32>
      %slice3A_144 = vector.extract_strided_slice %select_n3A_140 {offsets = [0, 256], sizes = [8, 256], strides = [1, 1]} : vector<8x512xi32> to vector<8x256xi32>
      %lt3A_145 = arith.cmpf olt, %slice3A_142, %slice3A_141 : vector<8x256xf32>
      %select_n3A_146 = arith.select %lt3A_145, %slice3A_142, %slice3A_141 : vector<8x256xi1>, vector<8x256xf32>
      %select_n3A_147 = arith.select %lt3A_145, %slice3A_144, %slice3A_143 : vector<8x256xi1>, vector<8x256xi32>
      %slice3A_148 = vector.extract_strided_slice %select_n3A_146 {offsets = [0, 0], sizes = [8, 128], strides = [1, 1]} : vector<8x256xf32> to vector<8x128xf32>
      %slice3A_149 = vector.extract_strided_slice %select_n3A_146 {offsets = [0, 128], sizes = [8, 128], strides = [1, 1]} : vector<8x256xf32> to vector<8x128xf32>
      %slice3A_150 = vector.extract_strided_slice %select_n3A_147 {offsets = [0, 0], sizes = [8, 128], strides = [1, 1]} : vector<8x256xi32> to vector<8x128xi32>
      %slice3A_151 = vector.extract_strided_slice %select_n3A_147 {offsets = [0, 128], sizes = [8, 128], strides = [1, 1]} : vector<8x256xi32> to vector<8x128xi32>
      %lt3A_152 = arith.cmpf olt, %slice3A_149, %slice3A_148 : vector<8x128xf32>
      %select_n3A_153 = arith.select %lt3A_152, %slice3A_149, %slice3A_148 : vector<8x128xi1>, vector<8x128xf32>
      %select_n3A_154 = arith.select %lt3A_152, %slice3A_151, %slice3A_150 : vector<8x128xi1>, vector<8x128xi32>
      %reduce_min3A_155 = arith.constant dense<0x7F800000> : vector<8xf32>
      %reduce_min3A_156 = vector.multi_reduction <minimumf>, %select_n3A_153, %reduce_min3A_155 [1] : vector<8x128xf32> to vector<8xf32>
      %broadcast_in_dim3A_157 = vector.shape_cast %reduce_min3A_156 : vector<8xf32> to vector<8x1xf32>
      %eq3A_158 = vector.broadcast %broadcast_in_dim3A_157 : vector<8x1xf32> to vector<8x128xf32>
      %eq3A_159 = arith.cmpf oeq, %select_n3A_153, %eq3A_158 : vector<8x128xf32>
      %jit3A_160 = arith.constant 16777216 : i32
      %broadcast_in_dim3A_161 = vector.broadcast %jit3A_160 : i32 to vector<8x128xi32>
      %select_n3A_162 = arith.select %eq3A_159, %select_n3A_154, %broadcast_in_dim3A_161 : vector<8x128xi1>, vector<8x128xi32>
      %reduce_min3A_163 = arith.constant dense<2147483647> : vector<8xi32>
      %reduce_min3A_164 = vector.multi_reduction <minsi>, %select_n3A_162, %reduce_min3A_163 [1] : vector<8x128xi32> to vector<8xi32>
      %broadcast_in_dim3A_165 = vector.shape_cast %reduce_min3A_164 : vector<8xi32> to vector<8x1xi32>
      %eq3A_166 = vector.broadcast %scan3A_105 : i32 to vector<8x64xi32>
      %eq3A_167 = arith.cmpi eq, %iota3A_23, %eq3A_166 : vector<8x64xi32>
      %broadcast_in_dim3A_168 = vector.shape_cast %broadcast_in_dim3A_165 : vector<8x1xi32> to vector<8x1xi32>
      %broadcast_in_dim3A_169 = vector.broadcast %broadcast_in_dim3A_168 : vector<8x1xi32> to vector<8x64xi32>
      %select_n3A_170 = arith.select %eq3A_167, %broadcast_in_dim3A_169, %select_n3A_98 : vector<8x64xi1>, vector<8x64xi32>
      %eq3A_171 = vector.broadcast %broadcast_in_dim3A_165 : vector<8x1xi32> to vector<8x16384xi32>
      %eq3A_172 = arith.cmpi eq, %iota3A, %eq3A_171 : vector<8x16384xi32>
      %jit3A_173 = arith.constant 9.99999995E+11 : f32
      %broadcast_in_dim3A_174 = vector.broadcast %jit3A_173 : f32 to vector<8x16384xf32>
      %select_n3A_175 = arith.select %eq3A_172, %broadcast_in_dim3A_174, %select_n3A_103 : vector<8x16384xi1>, vector<8x16384xf32>
      %scan3A_176 = arith.constant 2 : i32
      %scan3A_177 = arith.addi %scan3A_33, %scan3A_176 : i32
      %slice3A_178 = vector.extract_strided_slice %select_n3A_175 {offsets = [0, 0], sizes = [8, 8192], strides = [1, 1]} : vector<8x16384xf32> to vector<8x8192xf32>
      %slice3A_179 = vector.extract_strided_slice %select_n3A_175 {offsets = [0, 8192], sizes = [8, 8192], strides = [1, 1]} : vector<8x16384xf32> to vector<8x8192xf32>
      %slice3A_180 = vector.extract_strided_slice %iota3A {offsets = [0, 0], sizes = [8, 8192], strides = [1, 1]} : vector<8x16384xi32> to vector<8x8192xi32>
      %slice3A_181 = vector.extract_strided_slice %iota3A {offsets = [0, 8192], sizes = [8, 8192], strides = [1, 1]} : vector<8x16384xi32> to vector<8x8192xi32>
      %lt3A_182 = arith.cmpf olt, %slice3A_179, %slice3A_178 : vector<8x8192xf32>
      %select_n3A_183 = arith.select %lt3A_182, %slice3A_179, %slice3A_178 : vector<8x8192xi1>, vector<8x8192xf32>
      %select_n3A_184 = arith.select %lt3A_182, %slice3A_181, %slice3A_180 : vector<8x8192xi1>, vector<8x8192xi32>
      %slice3A_185 = vector.extract_strided_slice %select_n3A_183 {offsets = [0, 0], sizes = [8, 4096], strides = [1, 1]} : vector<8x8192xf32> to vector<8x4096xf32>
      %slice3A_186 = vector.extract_strided_slice %select_n3A_183 {offsets = [0, 4096], sizes = [8, 4096], strides = [1, 1]} : vector<8x8192xf32> to vector<8x4096xf32>
      %slice3A_187 = vector.extract_strided_slice %select_n3A_184 {offsets = [0, 0], sizes = [8, 4096], strides = [1, 1]} : vector<8x8192xi32> to vector<8x4096xi32>
      %slice3A_188 = vector.extract_strided_slice %select_n3A_184 {offsets = [0, 4096], sizes = [8, 4096], strides = [1, 1]} : vector<8x8192xi32> to vector<8x4096xi32>
      %lt3A_189 = arith.cmpf olt, %slice3A_186, %slice3A_185 : vector<8x4096xf32>
      %select_n3A_190 = arith.select %lt3A_189, %slice3A_186, %slice3A_185 : vector<8x4096xi1>, vector<8x4096xf32>
      %select_n3A_191 = arith.select %lt3A_189, %slice3A_188, %slice3A_187 : vector<8x4096xi1>, vector<8x4096xi32>
      %slice3A_192 = vector.extract_strided_slice %select_n3A_190 {offsets = [0, 0], sizes = [8, 2048], strides = [1, 1]} : vector<8x4096xf32> to vector<8x2048xf32>
      %slice3A_193 = vector.extract_strided_slice %select_n3A_190 {offsets = [0, 2048], sizes = [8, 2048], strides = [1, 1]} : vector<8x4096xf32> to vector<8x2048xf32>
      %slice3A_194 = vector.extract_strided_slice %select_n3A_191 {offsets = [0, 0], sizes = [8, 2048], strides = [1, 1]} : vector<8x4096xi32> to vector<8x2048xi32>
      %slice3A_195 = vector.extract_strided_slice %select_n3A_191 {offsets = [0, 2048], sizes = [8, 2048], strides = [1, 1]} : vector<8x4096xi32> to vector<8x2048xi32>
      %lt3A_196 = arith.cmpf olt, %slice3A_193, %slice3A_192 : vector<8x2048xf32>
      %select_n3A_197 = arith.select %lt3A_196, %slice3A_193, %slice3A_192 : vector<8x2048xi1>, vector<8x2048xf32>
      %select_n3A_198 = arith.select %lt3A_196, %slice3A_195, %slice3A_194 : vector<8x2048xi1>, vector<8x2048xi32>
      %slice3A_199 = vector.extract_strided_slice %select_n3A_197 {offsets = [0, 0], sizes = [8, 1024], strides = [1, 1]} : vector<8x2048xf32> to vector<8x1024xf32>
      %slice3A_200 = vector.extract_strided_slice %select_n3A_197 {offsets = [0, 1024], sizes = [8, 1024], strides = [1, 1]} : vector<8x2048xf32> to vector<8x1024xf32>
      %slice3A_201 = vector.extract_strided_slice %select_n3A_198 {offsets = [0, 0], sizes = [8, 1024], strides = [1, 1]} : vector<8x2048xi32> to vector<8x1024xi32>
      %slice3A_202 = vector.extract_strided_slice %select_n3A_198 {offsets = [0, 1024], sizes = [8, 1024], strides = [1, 1]} : vector<8x2048xi32> to vector<8x1024xi32>
      %lt3A_203 = arith.cmpf olt, %slice3A_200, %slice3A_199 : vector<8x1024xf32>
      %select_n3A_204 = arith.select %lt3A_203, %slice3A_200, %slice3A_199 : vector<8x1024xi1>, vector<8x1024xf32>
      %select_n3A_205 = arith.select %lt3A_203, %slice3A_202, %slice3A_201 : vector<8x1024xi1>, vector<8x1024xi32>
      %slice3A_206 = vector.extract_strided_slice %select_n3A_204 {offsets = [0, 0], sizes = [8, 512], strides = [1, 1]} : vector<8x1024xf32> to vector<8x512xf32>
      %slice3A_207 = vector.extract_strided_slice %select_n3A_204 {offsets = [0, 512], sizes = [8, 512], strides = [1, 1]} : vector<8x1024xf32> to vector<8x512xf32>
      %slice3A_208 = vector.extract_strided_slice %select_n3A_205 {offsets = [0, 0], sizes = [8, 512], strides = [1, 1]} : vector<8x1024xi32> to vector<8x512xi32>
      %slice3A_209 = vector.extract_strided_slice %select_n3A_205 {offsets = [0, 512], sizes = [8, 512], strides = [1, 1]} : vector<8x1024xi32> to vector<8x512xi32>
      %lt3A_210 = arith.cmpf olt, %slice3A_207, %slice3A_206 : vector<8x512xf32>
      %select_n3A_211 = arith.select %lt3A_210, %slice3A_207, %slice3A_206 : vector<8x512xi1>, vector<8x512xf32>
      %select_n3A_212 = arith.select %lt3A_210, %slice3A_209, %slice3A_208 : vector<8x512xi1>, vector<8x512xi32>
      %slice3A_213 = vector.extract_strided_slice %select_n3A_211 {offsets = [0, 0], sizes = [8, 256], strides = [1, 1]} : vector<8x512xf32> to vector<8x256xf32>
      %slice3A_214 = vector.extract_strided_slice %select_n3A_211 {offsets = [0, 256], sizes = [8, 256], strides = [1, 1]} : vector<8x512xf32> to vector<8x256xf32>
      %slice3A_215 = vector.extract_strided_slice %select_n3A_212 {offsets = [0, 0], sizes = [8, 256], strides = [1, 1]} : vector<8x512xi32> to vector<8x256xi32>
      %slice3A_216 = vector.extract_strided_slice %select_n3A_212 {offsets = [0, 256], sizes = [8, 256], strides = [1, 1]} : vector<8x512xi32> to vector<8x256xi32>
      %lt3A_217 = arith.cmpf olt, %slice3A_214, %slice3A_213 : vector<8x256xf32>
      %select_n3A_218 = arith.select %lt3A_217, %slice3A_214, %slice3A_213 : vector<8x256xi1>, vector<8x256xf32>
      %select_n3A_219 = arith.select %lt3A_217, %slice3A_216, %slice3A_215 : vector<8x256xi1>, vector<8x256xi32>
      %slice3A_220 = vector.extract_strided_slice %select_n3A_218 {offsets = [0, 0], sizes = [8, 128], strides = [1, 1]} : vector<8x256xf32> to vector<8x128xf32>
      %slice3A_221 = vector.extract_strided_slice %select_n3A_218 {offsets = [0, 128], sizes = [8, 128], strides = [1, 1]} : vector<8x256xf32> to vector<8x128xf32>
      %slice3A_222 = vector.extract_strided_slice %select_n3A_219 {offsets = [0, 0], sizes = [8, 128], strides = [1, 1]} : vector<8x256xi32> to vector<8x128xi32>
      %slice3A_223 = vector.extract_strided_slice %select_n3A_219 {offsets = [0, 128], sizes = [8, 128], strides = [1, 1]} : vector<8x256xi32> to vector<8x128xi32>
      %lt3A_224 = arith.cmpf olt, %slice3A_221, %slice3A_220 : vector<8x128xf32>
      %select_n3A_225 = arith.select %lt3A_224, %slice3A_221, %slice3A_220 : vector<8x128xi1>, vector<8x128xf32>
      %select_n3A_226 = arith.select %lt3A_224, %slice3A_223, %slice3A_222 : vector<8x128xi1>, vector<8x128xi32>
      %reduce_min3A_227 = arith.constant dense<0x7F800000> : vector<8xf32>
      %reduce_min3A_228 = vector.multi_reduction <minimumf>, %select_n3A_225, %reduce_min3A_227 [1] : vector<8x128xf32> to vector<8xf32>
      %broadcast_in_dim3A_229 = vector.shape_cast %reduce_min3A_228 : vector<8xf32> to vector<8x1xf32>
      %eq3A_230 = vector.broadcast %broadcast_in_dim3A_229 : vector<8x1xf32> to vector<8x128xf32>
      %eq3A_231 = arith.cmpf oeq, %select_n3A_225, %eq3A_230 : vector<8x128xf32>
      %jit3A_232 = arith.constant 16777216 : i32
      %broadcast_in_dim3A_233 = vector.broadcast %jit3A_232 : i32 to vector<8x128xi32>
      %select_n3A_234 = arith.select %eq3A_231, %select_n3A_226, %broadcast_in_dim3A_233 : vector<8x128xi1>, vector<8x128xi32>
      %reduce_min3A_235 = arith.constant dense<2147483647> : vector<8xi32>
      %reduce_min3A_236 = vector.multi_reduction <minsi>, %select_n3A_234, %reduce_min3A_235 [1] : vector<8x128xi32> to vector<8xi32>
      %broadcast_in_dim3A_237 = vector.shape_cast %reduce_min3A_236 : vector<8xi32> to vector<8x1xi32>
      %eq3A_238 = vector.broadcast %scan3A_177 : i32 to vector<8x64xi32>
      %eq3A_239 = arith.cmpi eq, %iota3A_23, %eq3A_238 : vector<8x64xi32>
      %broadcast_in_dim3A_240 = vector.shape_cast %broadcast_in_dim3A_237 : vector<8x1xi32> to vector<8x1xi32>
      %broadcast_in_dim3A_241 = vector.broadcast %broadcast_in_dim3A_240 : vector<8x1xi32> to vector<8x64xi32>
      %select_n3A_242 = arith.select %eq3A_239, %broadcast_in_dim3A_241, %select_n3A_170 : vector<8x64xi1>, vector<8x64xi32>
      %eq3A_243 = vector.broadcast %broadcast_in_dim3A_237 : vector<8x1xi32> to vector<8x16384xi32>
      %eq3A_244 = arith.cmpi eq, %iota3A, %eq3A_243 : vector<8x16384xi32>
      %jit3A_245 = arith.constant 9.99999995E+11 : f32
      %broadcast_in_dim3A_246 = vector.broadcast %jit3A_245 : f32 to vector<8x16384xf32>
      %select_n3A_247 = arith.select %eq3A_244, %broadcast_in_dim3A_246, %select_n3A_175 : vector<8x16384xi1>, vector<8x16384xf32>
      %scan3A_248 = arith.constant 3 : i32
      %scan3A_249 = arith.addi %scan3A_33, %scan3A_248 : i32
      %slice3A_250 = vector.extract_strided_slice %select_n3A_247 {offsets = [0, 0], sizes = [8, 8192], strides = [1, 1]} : vector<8x16384xf32> to vector<8x8192xf32>
      %slice3A_251 = vector.extract_strided_slice %select_n3A_247 {offsets = [0, 8192], sizes = [8, 8192], strides = [1, 1]} : vector<8x16384xf32> to vector<8x8192xf32>
      %slice3A_252 = vector.extract_strided_slice %iota3A {offsets = [0, 0], sizes = [8, 8192], strides = [1, 1]} : vector<8x16384xi32> to vector<8x8192xi32>
      %slice3A_253 = vector.extract_strided_slice %iota3A {offsets = [0, 8192], sizes = [8, 8192], strides = [1, 1]} : vector<8x16384xi32> to vector<8x8192xi32>
      %lt3A_254 = arith.cmpf olt, %slice3A_251, %slice3A_250 : vector<8x8192xf32>
      %select_n3A_255 = arith.select %lt3A_254, %slice3A_251, %slice3A_250 : vector<8x8192xi1>, vector<8x8192xf32>
      %select_n3A_256 = arith.select %lt3A_254, %slice3A_253, %slice3A_252 : vector<8x8192xi1>, vector<8x8192xi32>
      %slice3A_257 = vector.extract_strided_slice %select_n3A_255 {offsets = [0, 0], sizes = [8, 4096], strides = [1, 1]} : vector<8x8192xf32> to vector<8x4096xf32>
      %slice3A_258 = vector.extract_strided_slice %select_n3A_255 {offsets = [0, 4096], sizes = [8, 4096], strides = [1, 1]} : vector<8x8192xf32> to vector<8x4096xf32>
      %slice3A_259 = vector.extract_strided_slice %select_n3A_256 {offsets = [0, 0], sizes = [8, 4096], strides = [1, 1]} : vector<8x8192xi32> to vector<8x4096xi32>
      %slice3A_260 = vector.extract_strided_slice %select_n3A_256 {offsets = [0, 4096], sizes = [8, 4096], strides = [1, 1]} : vector<8x8192xi32> to vector<8x4096xi32>
      %lt3A_261 = arith.cmpf olt, %slice3A_258, %slice3A_257 : vector<8x4096xf32>
      %select_n3A_262 = arith.select %lt3A_261, %slice3A_258, %slice3A_257 : vector<8x4096xi1>, vector<8x4096xf32>
      %select_n3A_263 = arith.select %lt3A_261, %slice3A_260, %slice3A_259 : vector<8x4096xi1>, vector<8x4096xi32>
      %slice3A_264 = vector.extract_strided_slice %select_n3A_262 {offsets = [0, 0], sizes = [8, 2048], strides = [1, 1]} : vector<8x4096xf32> to vector<8x2048xf32>
      %slice3A_265 = vector.extract_strided_slice %select_n3A_262 {offsets = [0, 2048], sizes = [8, 2048], strides = [1, 1]} : vector<8x4096xf32> to vector<8x2048xf32>
      %slice3A_266 = vector.extract_strided_slice %select_n3A_263 {offsets = [0, 0], sizes = [8, 2048], strides = [1, 1]} : vector<8x4096xi32> to vector<8x2048xi32>
      %slice3A_267 = vector.extract_strided_slice %select_n3A_263 {offsets = [0, 2048], sizes = [8, 2048], strides = [1, 1]} : vector<8x4096xi32> to vector<8x2048xi32>
      %lt3A_268 = arith.cmpf olt, %slice3A_265, %slice3A_264 : vector<8x2048xf32>
      %select_n3A_269 = arith.select %lt3A_268, %slice3A_265, %slice3A_264 : vector<8x2048xi1>, vector<8x2048xf32>
      %select_n3A_270 = arith.select %lt3A_268, %slice3A_267, %slice3A_266 : vector<8x2048xi1>, vector<8x2048xi32>
      %slice3A_271 = vector.extract_strided_slice %select_n3A_269 {offsets = [0, 0], sizes = [8, 1024], strides = [1, 1]} : vector<8x2048xf32> to vector<8x1024xf32>
      %slice3A_272 = vector.extract_strided_slice %select_n3A_269 {offsets = [0, 1024], sizes = [8, 1024], strides = [1, 1]} : vector<8x2048xf32> to vector<8x1024xf32>
      %slice3A_273 = vector.extract_strided_slice %select_n3A_270 {offsets = [0, 0], sizes = [8, 1024], strides = [1, 1]} : vector<8x2048xi32> to vector<8x1024xi32>
      %slice3A_274 = vector.extract_strided_slice %select_n3A_270 {offsets = [0, 1024], sizes = [8, 1024], strides = [1, 1]} : vector<8x2048xi32> to vector<8x1024xi32>
      %lt3A_275 = arith.cmpf olt, %slice3A_272, %slice3A_271 : vector<8x1024xf32>
      %select_n3A_276 = arith.select %lt3A_275, %slice3A_272, %slice3A_271 : vector<8x1024xi1>, vector<8x1024xf32>
      %select_n3A_277 = arith.select %lt3A_275, %slice3A_274, %slice3A_273 : vector<8x1024xi1>, vector<8x1024xi32>
      %slice3A_278 = vector.extract_strided_slice %select_n3A_276 {offsets = [0, 0], sizes = [8, 512], strides = [1, 1]} : vector<8x1024xf32> to vector<8x512xf32>
      %slice3A_279 = vector.extract_strided_slice %select_n3A_276 {offsets = [0, 512], sizes = [8, 512], strides = [1, 1]} : vector<8x1024xf32> to vector<8x512xf32>
      %slice3A_280 = vector.extract_strided_slice %select_n3A_277 {offsets = [0, 0], sizes = [8, 512], strides = [1, 1]} : vector<8x1024xi32> to vector<8x512xi32>
      %slice3A_281 = vector.extract_strided_slice %select_n3A_277 {offsets = [0, 512], sizes = [8, 512], strides = [1, 1]} : vector<8x1024xi32> to vector<8x512xi32>
      %lt3A_282 = arith.cmpf olt, %slice3A_279, %slice3A_278 : vector<8x512xf32>
      %select_n3A_283 = arith.select %lt3A_282, %slice3A_279, %slice3A_278 : vector<8x512xi1>, vector<8x512xf32>
      %select_n3A_284 = arith.select %lt3A_282, %slice3A_281, %slice3A_280 : vector<8x512xi1>, vector<8x512xi32>
      %slice3A_285 = vector.extract_strided_slice %select_n3A_283 {offsets = [0, 0], sizes = [8, 256], strides = [1, 1]} : vector<8x512xf32> to vector<8x256xf32>
      %slice3A_286 = vector.extract_strided_slice %select_n3A_283 {offsets = [0, 256], sizes = [8, 256], strides = [1, 1]} : vector<8x512xf32> to vector<8x256xf32>
      %slice3A_287 = vector.extract_strided_slice %select_n3A_284 {offsets = [0, 0], sizes = [8, 256], strides = [1, 1]} : vector<8x512xi32> to vector<8x256xi32>
      %slice3A_288 = vector.extract_strided_slice %select_n3A_284 {offsets = [0, 256], sizes = [8, 256], strides = [1, 1]} : vector<8x512xi32> to vector<8x256xi32>
      %lt3A_289 = arith.cmpf olt, %slice3A_286, %slice3A_285 : vector<8x256xf32>
      %select_n3A_290 = arith.select %lt3A_289, %slice3A_286, %slice3A_285 : vector<8x256xi1>, vector<8x256xf32>
      %select_n3A_291 = arith.select %lt3A_289, %slice3A_288, %slice3A_287 : vector<8x256xi1>, vector<8x256xi32>
      %slice3A_292 = vector.extract_strided_slice %select_n3A_290 {offsets = [0, 0], sizes = [8, 128], strides = [1, 1]} : vector<8x256xf32> to vector<8x128xf32>
      %slice3A_293 = vector.extract_strided_slice %select_n3A_290 {offsets = [0, 128], sizes = [8, 128], strides = [1, 1]} : vector<8x256xf32> to vector<8x128xf32>
      %slice3A_294 = vector.extract_strided_slice %select_n3A_291 {offsets = [0, 0], sizes = [8, 128], strides = [1, 1]} : vector<8x256xi32> to vector<8x128xi32>
      %slice3A_295 = vector.extract_strided_slice %select_n3A_291 {offsets = [0, 128], sizes = [8, 128], strides = [1, 1]} : vector<8x256xi32> to vector<8x128xi32>
      %lt3A_296 = arith.cmpf olt, %slice3A_293, %slice3A_292 : vector<8x128xf32>
      %select_n3A_297 = arith.select %lt3A_296, %slice3A_293, %slice3A_292 : vector<8x128xi1>, vector<8x128xf32>
      %select_n3A_298 = arith.select %lt3A_296, %slice3A_295, %slice3A_294 : vector<8x128xi1>, vector<8x128xi32>
      %reduce_min3A_299 = arith.constant dense<0x7F800000> : vector<8xf32>
      %reduce_min3A_300 = vector.multi_reduction <minimumf>, %select_n3A_297, %reduce_min3A_299 [1] : vector<8x128xf32> to vector<8xf32>
      %broadcast_in_dim3A_301 = vector.shape_cast %reduce_min3A_300 : vector<8xf32> to vector<8x1xf32>
      %eq3A_302 = vector.broadcast %broadcast_in_dim3A_301 : vector<8x1xf32> to vector<8x128xf32>
      %eq3A_303 = arith.cmpf oeq, %select_n3A_297, %eq3A_302 : vector<8x128xf32>
      %jit3A_304 = arith.constant 16777216 : i32
      %broadcast_in_dim3A_305 = vector.broadcast %jit3A_304 : i32 to vector<8x128xi32>
      %select_n3A_306 = arith.select %eq3A_303, %select_n3A_298, %broadcast_in_dim3A_305 : vector<8x128xi1>, vector<8x128xi32>
      %reduce_min3A_307 = arith.constant dense<2147483647> : vector<8xi32>
      %reduce_min3A_308 = vector.multi_reduction <minsi>, %select_n3A_306, %reduce_min3A_307 [1] : vector<8x128xi32> to vector<8xi32>
      %broadcast_in_dim3A_309 = vector.shape_cast %reduce_min3A_308 : vector<8xi32> to vector<8x1xi32>
      %eq3A_310 = vector.broadcast %scan3A_249 : i32 to vector<8x64xi32>
      %eq3A_311 = arith.cmpi eq, %iota3A_23, %eq3A_310 : vector<8x64xi32>
      %broadcast_in_dim3A_312 = vector.shape_cast %broadcast_in_dim3A_309 : vector<8x1xi32> to vector<8x1xi32>
      %broadcast_in_dim3A_313 = vector.broadcast %broadcast_in_dim3A_312 : vector<8x1xi32> to vector<8x64xi32>
      %select_n3A_314 = arith.select %eq3A_311, %broadcast_in_dim3A_313, %select_n3A_242 : vector<8x64xi1>, vector<8x64xi32>
      %eq3A_315 = vector.broadcast %broadcast_in_dim3A_309 : vector<8x1xi32> to vector<8x16384xi32>
      %eq3A_316 = arith.cmpi eq, %iota3A, %eq3A_315 : vector<8x16384xi32>
      %jit3A_317 = arith.constant 9.99999995E+11 : f32
      %broadcast_in_dim3A_318 = vector.broadcast %jit3A_317 : f32 to vector<8x16384xf32>
      %select_n3A_319 = arith.select %eq3A_316, %broadcast_in_dim3A_318, %select_n3A_247 : vector<8x16384xi1>, vector<8x16384xf32>
      %scan3A_320 = arith.constant 4 : i32
      %scan3A_321 = arith.addi %scan3A_33, %scan3A_320 : i32
      %slice3A_322 = vector.extract_strided_slice %select_n3A_319 {offsets = [0, 0], sizes = [8, 8192], strides = [1, 1]} : vector<8x16384xf32> to vector<8x8192xf32>
      %slice3A_323 = vector.extract_strided_slice %select_n3A_319 {offsets = [0, 8192], sizes = [8, 8192], strides = [1, 1]} : vector<8x16384xf32> to vector<8x8192xf32>
      %slice3A_324 = vector.extract_strided_slice %iota3A {offsets = [0, 0], sizes = [8, 8192], strides = [1, 1]} : vector<8x16384xi32> to vector<8x8192xi32>
      %slice3A_325 = vector.extract_strided_slice %iota3A {offsets = [0, 8192], sizes = [8, 8192], strides = [1, 1]} : vector<8x16384xi32> to vector<8x8192xi32>
      %lt3A_326 = arith.cmpf olt, %slice3A_323, %slice3A_322 : vector<8x8192xf32>
      %select_n3A_327 = arith.select %lt3A_326, %slice3A_323, %slice3A_322 : vector<8x8192xi1>, vector<8x8192xf32>
      %select_n3A_328 = arith.select %lt3A_326, %slice3A_325, %slice3A_324 : vector<8x8192xi1>, vector<8x8192xi32>
      %slice3A_329 = vector.extract_strided_slice %select_n3A_327 {offsets = [0, 0], sizes = [8, 4096], strides = [1, 1]} : vector<8x8192xf32> to vector<8x4096xf32>
      %slice3A_330 = vector.extract_strided_slice %select_n3A_327 {offsets = [0, 4096], sizes = [8, 4096], strides = [1, 1]} : vector<8x8192xf32> to vector<8x4096xf32>
      %slice3A_331 = vector.extract_strided_slice %select_n3A_328 {offsets = [0, 0], sizes = [8, 4096], strides = [1, 1]} : vector<8x8192xi32> to vector<8x4096xi32>
      %slice3A_332 = vector.extract_strided_slice %select_n3A_328 {offsets = [0, 4096], sizes = [8, 4096], strides = [1, 1]} : vector<8x8192xi32> to vector<8x4096xi32>
      %lt3A_333 = arith.cmpf olt, %slice3A_330, %slice3A_329 : vector<8x4096xf32>
      %select_n3A_334 = arith.select %lt3A_333, %slice3A_330, %slice3A_329 : vector<8x4096xi1>, vector<8x4096xf32>
      %select_n3A_335 = arith.select %lt3A_333, %slice3A_332, %slice3A_331 : vector<8x4096xi1>, vector<8x4096xi32>
      %slice3A_336 = vector.extract_strided_slice %select_n3A_334 {offsets = [0, 0], sizes = [8, 2048], strides = [1, 1]} : vector<8x4096xf32> to vector<8x2048xf32>
      %slice3A_337 = vector.extract_strided_slice %select_n3A_334 {offsets = [0, 2048], sizes = [8, 2048], strides = [1, 1]} : vector<8x4096xf32> to vector<8x2048xf32>
      %slice3A_338 = vector.extract_strided_slice %select_n3A_335 {offsets = [0, 0], sizes = [8, 2048], strides = [1, 1]} : vector<8x4096xi32> to vector<8x2048xi32>
      %slice3A_339 = vector.extract_strided_slice %select_n3A_335 {offsets = [0, 2048], sizes = [8, 2048], strides = [1, 1]} : vector<8x4096xi32> to vector<8x2048xi32>
      %lt3A_340 = arith.cmpf olt, %slice3A_337, %slice3A_336 : vector<8x2048xf32>
      %select_n3A_341 = arith.select %lt3A_340, %slice3A_337, %slice3A_336 : vector<8x2048xi1>, vector<8x2048xf32>
      %select_n3A_342 = arith.select %lt3A_340, %slice3A_339, %slice3A_338 : vector<8x2048xi1>, vector<8x2048xi32>
      %slice3A_343 = vector.extract_strided_slice %select_n3A_341 {offsets = [0, 0], sizes = [8, 1024], strides = [1, 1]} : vector<8x2048xf32> to vector<8x1024xf32>
      %slice3A_344 = vector.extract_strided_slice %select_n3A_341 {offsets = [0, 1024], sizes = [8, 1024], strides = [1, 1]} : vector<8x2048xf32> to vector<8x1024xf32>
      %slice3A_345 = vector.extract_strided_slice %select_n3A_342 {offsets = [0, 0], sizes = [8, 1024], strides = [1, 1]} : vector<8x2048xi32> to vector<8x1024xi32>
      %slice3A_346 = vector.extract_strided_slice %select_n3A_342 {offsets = [0, 1024], sizes = [8, 1024], strides = [1, 1]} : vector<8x2048xi32> to vector<8x1024xi32>
      %lt3A_347 = arith.cmpf olt, %slice3A_344, %slice3A_343 : vector<8x1024xf32>
      %select_n3A_348 = arith.select %lt3A_347, %slice3A_344, %slice3A_343 : vector<8x1024xi1>, vector<8x1024xf32>
      %select_n3A_349 = arith.select %lt3A_347, %slice3A_346, %slice3A_345 : vector<8x1024xi1>, vector<8x1024xi32>
      %slice3A_350 = vector.extract_strided_slice %select_n3A_348 {offsets = [0, 0], sizes = [8, 512], strides = [1, 1]} : vector<8x1024xf32> to vector<8x512xf32>
      %slice3A_351 = vector.extract_strided_slice %select_n3A_348 {offsets = [0, 512], sizes = [8, 512], strides = [1, 1]} : vector<8x1024xf32> to vector<8x512xf32>
      %slice3A_352 = vector.extract_strided_slice %select_n3A_349 {offsets = [0, 0], sizes = [8, 512], strides = [1, 1]} : vector<8x1024xi32> to vector<8x512xi32>
      %slice3A_353 = vector.extract_strided_slice %select_n3A_349 {offsets = [0, 512], sizes = [8, 512], strides = [1, 1]} : vector<8x1024xi32> to vector<8x512xi32>
      %lt3A_354 = arith.cmpf olt, %slice3A_351, %slice3A_350 : vector<8x512xf32>
      %select_n3A_355 = arith.select %lt3A_354, %slice3A_351, %slice3A_350 : vector<8x512xi1>, vector<8x512xf32>
      %select_n3A_356 = arith.select %lt3A_354, %slice3A_353, %slice3A_352 : vector<8x512xi1>, vector<8x512xi32>
      %slice3A_357 = vector.extract_strided_slice %select_n3A_355 {offsets = [0, 0], sizes = [8, 256], strides = [1, 1]} : vector<8x512xf32> to vector<8x256xf32>
      %slice3A_358 = vector.extract_strided_slice %select_n3A_355 {offsets = [0, 256], sizes = [8, 256], strides = [1, 1]} : vector<8x512xf32> to vector<8x256xf32>
      %slice3A_359 = vector.extract_strided_slice %select_n3A_356 {offsets = [0, 0], sizes = [8, 256], strides = [1, 1]} : vector<8x512xi32> to vector<8x256xi32>
      %slice3A_360 = vector.extract_strided_slice %select_n3A_356 {offsets = [0, 256], sizes = [8, 256], strides = [1, 1]} : vector<8x512xi32> to vector<8x256xi32>
      %lt3A_361 = arith.cmpf olt, %slice3A_358, %slice3A_357 : vector<8x256xf32>
      %select_n3A_362 = arith.select %lt3A_361, %slice3A_358, %slice3A_357 : vector<8x256xi1>, vector<8x256xf32>
      %select_n3A_363 = arith.select %lt3A_361, %slice3A_360, %slice3A_359 : vector<8x256xi1>, vector<8x256xi32>
      %slice3A_364 = vector.extract_strided_slice %select_n3A_362 {offsets = [0, 0], sizes = [8, 128], strides = [1, 1]} : vector<8x256xf32> to vector<8x128xf32>
      %slice3A_365 = vector.extract_strided_slice %select_n3A_362 {offsets = [0, 128], sizes = [8, 128], strides = [1, 1]} : vector<8x256xf32> to vector<8x128xf32>
      %slice3A_366 = vector.extract_strided_slice %select_n3A_363 {offsets = [0, 0], sizes = [8, 128], strides = [1, 1]} : vector<8x256xi32> to vector<8x128xi32>
      %slice3A_367 = vector.extract_strided_slice %select_n3A_363 {offsets = [0, 128], sizes = [8, 128], strides = [1, 1]} : vector<8x256xi32> to vector<8x128xi32>
      %lt3A_368 = arith.cmpf olt, %slice3A_365, %slice3A_364 : vector<8x128xf32>
      %select_n3A_369 = arith.select %lt3A_368, %slice3A_365, %slice3A_364 : vector<8x128xi1>, vector<8x128xf32>
      %select_n3A_370 = arith.select %lt3A_368, %slice3A_367, %slice3A_366 : vector<8x128xi1>, vector<8x128xi32>
      %reduce_min3A_371 = arith.constant dense<0x7F800000> : vector<8xf32>
      %reduce_min3A_372 = vector.multi_reduction <minimumf>, %select_n3A_369, %reduce_min3A_371 [1] : vector<8x128xf32> to vector<8xf32>
      %broadcast_in_dim3A_373 = vector.shape_cast %reduce_min3A_372 : vector<8xf32> to vector<8x1xf32>
      %eq3A_374 = vector.broadcast %broadcast_in_dim3A_373 : vector<8x1xf32> to vector<8x128xf32>
      %eq3A_375 = arith.cmpf oeq, %select_n3A_369, %eq3A_374 : vector<8x128xf32>
      %jit3A_376 = arith.constant 16777216 : i32
      %broadcast_in_dim3A_377 = vector.broadcast %jit3A_376 : i32 to vector<8x128xi32>
      %select_n3A_378 = arith.select %eq3A_375, %select_n3A_370, %broadcast_in_dim3A_377 : vector<8x128xi1>, vector<8x128xi32>
      %reduce_min3A_379 = arith.constant dense<2147483647> : vector<8xi32>
      %reduce_min3A_380 = vector.multi_reduction <minsi>, %select_n3A_378, %reduce_min3A_379 [1] : vector<8x128xi32> to vector<8xi32>
      %broadcast_in_dim3A_381 = vector.shape_cast %reduce_min3A_380 : vector<8xi32> to vector<8x1xi32>
      %eq3A_382 = vector.broadcast %scan3A_321 : i32 to vector<8x64xi32>
      %eq3A_383 = arith.cmpi eq, %iota3A_23, %eq3A_382 : vector<8x64xi32>
      %broadcast_in_dim3A_384 = vector.shape_cast %broadcast_in_dim3A_381 : vector<8x1xi32> to vector<8x1xi32>
      %broadcast_in_dim3A_385 = vector.broadcast %broadcast_in_dim3A_384 : vector<8x1xi32> to vector<8x64xi32>
      %select_n3A_386 = arith.select %eq3A_383, %broadcast_in_dim3A_385, %select_n3A_314 : vector<8x64xi1>, vector<8x64xi32>
      %eq3A_387 = vector.broadcast %broadcast_in_dim3A_381 : vector<8x1xi32> to vector<8x16384xi32>
      %eq3A_388 = arith.cmpi eq, %iota3A, %eq3A_387 : vector<8x16384xi32>
      %jit3A_389 = arith.constant 9.99999995E+11 : f32
      %broadcast_in_dim3A_390 = vector.broadcast %jit3A_389 : f32 to vector<8x16384xf32>
      %select_n3A_391 = arith.select %eq3A_388, %broadcast_in_dim3A_390, %select_n3A_319 : vector<8x16384xi1>, vector<8x16384xf32>
      %scan3A_392 = arith.constant 5 : i32
      %scan3A_393 = arith.addi %scan3A_33, %scan3A_392 : i32
      %slice3A_394 = vector.extract_strided_slice %select_n3A_391 {offsets = [0, 0], sizes = [8, 8192], strides = [1, 1]} : vector<8x16384xf32> to vector<8x8192xf32>
      %slice3A_395 = vector.extract_strided_slice %select_n3A_391 {offsets = [0, 8192], sizes = [8, 8192], strides = [1, 1]} : vector<8x16384xf32> to vector<8x8192xf32>
      %slice3A_396 = vector.extract_strided_slice %iota3A {offsets = [0, 0], sizes = [8, 8192], strides = [1, 1]} : vector<8x16384xi32> to vector<8x8192xi32>
      %slice3A_397 = vector.extract_strided_slice %iota3A {offsets = [0, 8192], sizes = [8, 8192], strides = [1, 1]} : vector<8x16384xi32> to vector<8x8192xi32>
      %lt3A_398 = arith.cmpf olt, %slice3A_395, %slice3A_394 : vector<8x8192xf32>
      %select_n3A_399 = arith.select %lt3A_398, %slice3A_395, %slice3A_394 : vector<8x8192xi1>, vector<8x8192xf32>
      %select_n3A_400 = arith.select %lt3A_398, %slice3A_397, %slice3A_396 : vector<8x8192xi1>, vector<8x8192xi32>
      %slice3A_401 = vector.extract_strided_slice %select_n3A_399 {offsets = [0, 0], sizes = [8, 4096], strides = [1, 1]} : vector<8x8192xf32> to vector<8x4096xf32>
      %slice3A_402 = vector.extract_strided_slice %select_n3A_399 {offsets = [0, 4096], sizes = [8, 4096], strides = [1, 1]} : vector<8x8192xf32> to vector<8x4096xf32>
      %slice3A_403 = vector.extract_strided_slice %select_n3A_400 {offsets = [0, 0], sizes = [8, 4096], strides = [1, 1]} : vector<8x8192xi32> to vector<8x4096xi32>
      %slice3A_404 = vector.extract_strided_slice %select_n3A_400 {offsets = [0, 4096], sizes = [8, 4096], strides = [1, 1]} : vector<8x8192xi32> to vector<8x4096xi32>
      %lt3A_405 = arith.cmpf olt, %slice3A_402, %slice3A_401 : vector<8x4096xf32>
      %select_n3A_406 = arith.select %lt3A_405, %slice3A_402, %slice3A_401 : vector<8x4096xi1>, vector<8x4096xf32>
      %select_n3A_407 = arith.select %lt3A_405, %slice3A_404, %slice3A_403 : vector<8x4096xi1>, vector<8x4096xi32>
      %slice3A_408 = vector.extract_strided_slice %select_n3A_406 {offsets = [0, 0], sizes = [8, 2048], strides = [1, 1]} : vector<8x4096xf32> to vector<8x2048xf32>
      %slice3A_409 = vector.extract_strided_slice %select_n3A_406 {offsets = [0, 2048], sizes = [8, 2048], strides = [1, 1]} : vector<8x4096xf32> to vector<8x2048xf32>
      %slice3A_410 = vector.extract_strided_slice %select_n3A_407 {offsets = [0, 0], sizes = [8, 2048], strides = [1, 1]} : vector<8x4096xi32> to vector<8x2048xi32>
      %slice3A_411 = vector.extract_strided_slice %select_n3A_407 {offsets = [0, 2048], sizes = [8, 2048], strides = [1, 1]} : vector<8x4096xi32> to vector<8x2048xi32>
      %lt3A_412 = arith.cmpf olt, %slice3A_409, %slice3A_408 : vector<8x2048xf32>
      %select_n3A_413 = arith.select %lt3A_412, %slice3A_409, %slice3A_408 : vector<8x2048xi1>, vector<8x2048xf32>
      %select_n3A_414 = arith.select %lt3A_412, %slice3A_411, %slice3A_410 : vector<8x2048xi1>, vector<8x2048xi32>
      %slice3A_415 = vector.extract_strided_slice %select_n3A_413 {offsets = [0, 0], sizes = [8, 1024], strides = [1, 1]} : vector<8x2048xf32> to vector<8x1024xf32>
      %slice3A_416 = vector.extract_strided_slice %select_n3A_413 {offsets = [0, 1024], sizes = [8, 1024], strides = [1, 1]} : vector<8x2048xf32> to vector<8x1024xf32>
      %slice3A_417 = vector.extract_strided_slice %select_n3A_414 {offsets = [0, 0], sizes = [8, 1024], strides = [1, 1]} : vector<8x2048xi32> to vector<8x1024xi32>
      %slice3A_418 = vector.extract_strided_slice %select_n3A_414 {offsets = [0, 1024], sizes = [8, 1024], strides = [1, 1]} : vector<8x2048xi32> to vector<8x1024xi32>
      %lt3A_419 = arith.cmpf olt, %slice3A_416, %slice3A_415 : vector<8x1024xf32>
      %select_n3A_420 = arith.select %lt3A_419, %slice3A_416, %slice3A_415 : vector<8x1024xi1>, vector<8x1024xf32>
      %select_n3A_421 = arith.select %lt3A_419, %slice3A_418, %slice3A_417 : vector<8x1024xi1>, vector<8x1024xi32>
      %slice3A_422 = vector.extract_strided_slice %select_n3A_420 {offsets = [0, 0], sizes = [8, 512], strides = [1, 1]} : vector<8x1024xf32> to vector<8x512xf32>
      %slice3A_423 = vector.extract_strided_slice %select_n3A_420 {offsets = [0, 512], sizes = [8, 512], strides = [1, 1]} : vector<8x1024xf32> to vector<8x512xf32>
      %slice3A_424 = vector.extract_strided_slice %select_n3A_421 {offsets = [0, 0], sizes = [8, 512], strides = [1, 1]} : vector<8x1024xi32> to vector<8x512xi32>
      %slice3A_425 = vector.extract_strided_slice %select_n3A_421 {offsets = [0, 512], sizes = [8, 512], strides = [1, 1]} : vector<8x1024xi32> to vector<8x512xi32>
      %lt3A_426 = arith.cmpf olt, %slice3A_423, %slice3A_422 : vector<8x512xf32>
      %select_n3A_427 = arith.select %lt3A_426, %slice3A_423, %slice3A_422 : vector<8x512xi1>, vector<8x512xf32>
      %select_n3A_428 = arith.select %lt3A_426, %slice3A_425, %slice3A_424 : vector<8x512xi1>, vector<8x512xi32>
      %slice3A_429 = vector.extract_strided_slice %select_n3A_427 {offsets = [0, 0], sizes = [8, 256], strides = [1, 1]} : vector<8x512xf32> to vector<8x256xf32>
      %slice3A_430 = vector.extract_strided_slice %select_n3A_427 {offsets = [0, 256], sizes = [8, 256], strides = [1, 1]} : vector<8x512xf32> to vector<8x256xf32>
      %slice3A_431 = vector.extract_strided_slice %select_n3A_428 {offsets = [0, 0], sizes = [8, 256], strides = [1, 1]} : vector<8x512xi32> to vector<8x256xi32>
      %slice3A_432 = vector.extract_strided_slice %select_n3A_428 {offsets = [0, 256], sizes = [8, 256], strides = [1, 1]} : vector<8x512xi32> to vector<8x256xi32>
      %lt3A_433 = arith.cmpf olt, %slice3A_430, %slice3A_429 : vector<8x256xf32>
      %select_n3A_434 = arith.select %lt3A_433, %slice3A_430, %slice3A_429 : vector<8x256xi1>, vector<8x256xf32>
      %select_n3A_435 = arith.select %lt3A_433, %slice3A_432, %slice3A_431 : vector<8x256xi1>, vector<8x256xi32>
      %slice3A_436 = vector.extract_strided_slice %select_n3A_434 {offsets = [0, 0], sizes = [8, 128], strides = [1, 1]} : vector<8x256xf32> to vector<8x128xf32>
      %slice3A_437 = vector.extract_strided_slice %select_n3A_434 {offsets = [0, 128], sizes = [8, 128], strides = [1, 1]} : vector<8x256xf32> to vector<8x128xf32>
      %slice3A_438 = vector.extract_strided_slice %select_n3A_435 {offsets = [0, 0], sizes = [8, 128], strides = [1, 1]} : vector<8x256xi32> to vector<8x128xi32>
      %slice3A_439 = vector.extract_strided_slice %select_n3A_435 {offsets = [0, 128], sizes = [8, 128], strides = [1, 1]} : vector<8x256xi32> to vector<8x128xi32>
      %lt3A_440 = arith.cmpf olt, %slice3A_437, %slice3A_436 : vector<8x128xf32>
      %select_n3A_441 = arith.select %lt3A_440, %slice3A_437, %slice3A_436 : vector<8x128xi1>, vector<8x128xf32>
      %select_n3A_442 = arith.select %lt3A_440, %slice3A_439, %slice3A_438 : vector<8x128xi1>, vector<8x128xi32>
      %reduce_min3A_443 = arith.constant dense<0x7F800000> : vector<8xf32>
      %reduce_min3A_444 = vector.multi_reduction <minimumf>, %select_n3A_441, %reduce_min3A_443 [1] : vector<8x128xf32> to vector<8xf32>
      %broadcast_in_dim3A_445 = vector.shape_cast %reduce_min3A_444 : vector<8xf32> to vector<8x1xf32>
      %eq3A_446 = vector.broadcast %broadcast_in_dim3A_445 : vector<8x1xf32> to vector<8x128xf32>
      %eq3A_447 = arith.cmpf oeq, %select_n3A_441, %eq3A_446 : vector<8x128xf32>
      %jit3A_448 = arith.constant 16777216 : i32
      %broadcast_in_dim3A_449 = vector.broadcast %jit3A_448 : i32 to vector<8x128xi32>
      %select_n3A_450 = arith.select %eq3A_447, %select_n3A_442, %broadcast_in_dim3A_449 : vector<8x128xi1>, vector<8x128xi32>
      %reduce_min3A_451 = arith.constant dense<2147483647> : vector<8xi32>
      %reduce_min3A_452 = vector.multi_reduction <minsi>, %select_n3A_450, %reduce_min3A_451 [1] : vector<8x128xi32> to vector<8xi32>
      %broadcast_in_dim3A_453 = vector.shape_cast %reduce_min3A_452 : vector<8xi32> to vector<8x1xi32>
      %eq3A_454 = vector.broadcast %scan3A_393 : i32 to vector<8x64xi32>
      %eq3A_455 = arith.cmpi eq, %iota3A_23, %eq3A_454 : vector<8x64xi32>
      %broadcast_in_dim3A_456 = vector.shape_cast %broadcast_in_dim3A_453 : vector<8x1xi32> to vector<8x1xi32>
      %broadcast_in_dim3A_457 = vector.broadcast %broadcast_in_dim3A_456 : vector<8x1xi32> to vector<8x64xi32>
      %select_n3A_458 = arith.select %eq3A_455, %broadcast_in_dim3A_457, %select_n3A_386 : vector<8x64xi1>, vector<8x64xi32>
      %eq3A_459 = vector.broadcast %broadcast_in_dim3A_453 : vector<8x1xi32> to vector<8x16384xi32>
      %eq3A_460 = arith.cmpi eq, %iota3A, %eq3A_459 : vector<8x16384xi32>
      %jit3A_461 = arith.constant 9.99999995E+11 : f32
      %broadcast_in_dim3A_462 = vector.broadcast %jit3A_461 : f32 to vector<8x16384xf32>
      %select_n3A_463 = arith.select %eq3A_460, %broadcast_in_dim3A_462, %select_n3A_391 : vector<8x16384xi1>, vector<8x16384xf32>
      %scan3A_464 = arith.constant 6 : i32
      %scan3A_465 = arith.addi %scan3A_33, %scan3A_464 : i32
      %slice3A_466 = vector.extract_strided_slice %select_n3A_463 {offsets = [0, 0], sizes = [8, 8192], strides = [1, 1]} : vector<8x16384xf32> to vector<8x8192xf32>
      %slice3A_467 = vector.extract_strided_slice %select_n3A_463 {offsets = [0, 8192], sizes = [8, 8192], strides = [1, 1]} : vector<8x16384xf32> to vector<8x8192xf32>
      %slice3A_468 = vector.extract_strided_slice %iota3A {offsets = [0, 0], sizes = [8, 8192], strides = [1, 1]} : vector<8x16384xi32> to vector<8x8192xi32>
      %slice3A_469 = vector.extract_strided_slice %iota3A {offsets = [0, 8192], sizes = [8, 8192], strides = [1, 1]} : vector<8x16384xi32> to vector<8x8192xi32>
      %lt3A_470 = arith.cmpf olt, %slice3A_467, %slice3A_466 : vector<8x8192xf32>
      %select_n3A_471 = arith.select %lt3A_470, %slice3A_467, %slice3A_466 : vector<8x8192xi1>, vector<8x8192xf32>
      %select_n3A_472 = arith.select %lt3A_470, %slice3A_469, %slice3A_468 : vector<8x8192xi1>, vector<8x8192xi32>
      %slice3A_473 = vector.extract_strided_slice %select_n3A_471 {offsets = [0, 0], sizes = [8, 4096], strides = [1, 1]} : vector<8x8192xf32> to vector<8x4096xf32>
      %slice3A_474 = vector.extract_strided_slice %select_n3A_471 {offsets = [0, 4096], sizes = [8, 4096], strides = [1, 1]} : vector<8x8192xf32> to vector<8x4096xf32>
      %slice3A_475 = vector.extract_strided_slice %select_n3A_472 {offsets = [0, 0], sizes = [8, 4096], strides = [1, 1]} : vector<8x8192xi32> to vector<8x4096xi32>
      %slice3A_476 = vector.extract_strided_slice %select_n3A_472 {offsets = [0, 4096], sizes = [8, 4096], strides = [1, 1]} : vector<8x8192xi32> to vector<8x4096xi32>
      %lt3A_477 = arith.cmpf olt, %slice3A_474, %slice3A_473 : vector<8x4096xf32>
      %select_n3A_478 = arith.select %lt3A_477, %slice3A_474, %slice3A_473 : vector<8x4096xi1>, vector<8x4096xf32>
      %select_n3A_479 = arith.select %lt3A_477, %slice3A_476, %slice3A_475 : vector<8x4096xi1>, vector<8x4096xi32>
      %slice3A_480 = vector.extract_strided_slice %select_n3A_478 {offsets = [0, 0], sizes = [8, 2048], strides = [1, 1]} : vector<8x4096xf32> to vector<8x2048xf32>
      %slice3A_481 = vector.extract_strided_slice %select_n3A_478 {offsets = [0, 2048], sizes = [8, 2048], strides = [1, 1]} : vector<8x4096xf32> to vector<8x2048xf32>
      %slice3A_482 = vector.extract_strided_slice %select_n3A_479 {offsets = [0, 0], sizes = [8, 2048], strides = [1, 1]} : vector<8x4096xi32> to vector<8x2048xi32>
      %slice3A_483 = vector.extract_strided_slice %select_n3A_479 {offsets = [0, 2048], sizes = [8, 2048], strides = [1, 1]} : vector<8x4096xi32> to vector<8x2048xi32>
      %lt3A_484 = arith.cmpf olt, %slice3A_481, %slice3A_480 : vector<8x2048xf32>
      %select_n3A_485 = arith.select %lt3A_484, %slice3A_481, %slice3A_480 : vector<8x2048xi1>, vector<8x2048xf32>
      %select_n3A_486 = arith.select %lt3A_484, %slice3A_483, %slice3A_482 : vector<8x2048xi1>, vector<8x2048xi32>
      %slice3A_487 = vector.extract_strided_slice %select_n3A_485 {offsets = [0, 0], sizes = [8, 1024], strides = [1, 1]} : vector<8x2048xf32> to vector<8x1024xf32>
      %slice3A_488 = vector.extract_strided_slice %select_n3A_485 {offsets = [0, 1024], sizes = [8, 1024], strides = [1, 1]} : vector<8x2048xf32> to vector<8x1024xf32>
      %slice3A_489 = vector.extract_strided_slice %select_n3A_486 {offsets = [0, 0], sizes = [8, 1024], strides = [1, 1]} : vector<8x2048xi32> to vector<8x1024xi32>
      %slice3A_490 = vector.extract_strided_slice %select_n3A_486 {offsets = [0, 1024], sizes = [8, 1024], strides = [1, 1]} : vector<8x2048xi32> to vector<8x1024xi32>
      %lt3A_491 = arith.cmpf olt, %slice3A_488, %slice3A_487 : vector<8x1024xf32>
      %select_n3A_492 = arith.select %lt3A_491, %slice3A_488, %slice3A_487 : vector<8x1024xi1>, vector<8x1024xf32>
      %select_n3A_493 = arith.select %lt3A_491, %slice3A_490, %slice3A_489 : vector<8x1024xi1>, vector<8x1024xi32>
      %slice3A_494 = vector.extract_strided_slice %select_n3A_492 {offsets = [0, 0], sizes = [8, 512], strides = [1, 1]} : vector<8x1024xf32> to vector<8x512xf32>
      %slice3A_495 = vector.extract_strided_slice %select_n3A_492 {offsets = [0, 512], sizes = [8, 512], strides = [1, 1]} : vector<8x1024xf32> to vector<8x512xf32>
      %slice3A_496 = vector.extract_strided_slice %select_n3A_493 {offsets = [0, 0], sizes = [8, 512], strides = [1, 1]} : vector<8x1024xi32> to vector<8x512xi32>
      %slice3A_497 = vector.extract_strided_slice %select_n3A_493 {offsets = [0, 512], sizes = [8, 512], strides = [1, 1]} : vector<8x1024xi32> to vector<8x512xi32>
      %lt3A_498 = arith.cmpf olt, %slice3A_495, %slice3A_494 : vector<8x512xf32>
      %select_n3A_499 = arith.select %lt3A_498, %slice3A_495, %slice3A_494 : vector<8x512xi1>, vector<8x512xf32>
      %select_n3A_500 = arith.select %lt3A_498, %slice3A_497, %slice3A_496 : vector<8x512xi1>, vector<8x512xi32>
      %slice3A_501 = vector.extract_strided_slice %select_n3A_499 {offsets = [0, 0], sizes = [8, 256], strides = [1, 1]} : vector<8x512xf32> to vector<8x256xf32>
      %slice3A_502 = vector.extract_strided_slice %select_n3A_499 {offsets = [0, 256], sizes = [8, 256], strides = [1, 1]} : vector<8x512xf32> to vector<8x256xf32>
      %slice3A_503 = vector.extract_strided_slice %select_n3A_500 {offsets = [0, 0], sizes = [8, 256], strides = [1, 1]} : vector<8x512xi32> to vector<8x256xi32>
      %slice3A_504 = vector.extract_strided_slice %select_n3A_500 {offsets = [0, 256], sizes = [8, 256], strides = [1, 1]} : vector<8x512xi32> to vector<8x256xi32>
      %lt3A_505 = arith.cmpf olt, %slice3A_502, %slice3A_501 : vector<8x256xf32>
      %select_n3A_506 = arith.select %lt3A_505, %slice3A_502, %slice3A_501 : vector<8x256xi1>, vector<8x256xf32>
      %select_n3A_507 = arith.select %lt3A_505, %slice3A_504, %slice3A_503 : vector<8x256xi1>, vector<8x256xi32>
      %slice3A_508 = vector.extract_strided_slice %select_n3A_506 {offsets = [0, 0], sizes = [8, 128], strides = [1, 1]} : vector<8x256xf32> to vector<8x128xf32>
      %slice3A_509 = vector.extract_strided_slice %select_n3A_506 {offsets = [0, 128], sizes = [8, 128], strides = [1, 1]} : vector<8x256xf32> to vector<8x128xf32>
      %slice3A_510 = vector.extract_strided_slice %select_n3A_507 {offsets = [0, 0], sizes = [8, 128], strides = [1, 1]} : vector<8x256xi32> to vector<8x128xi32>
      %slice3A_511 = vector.extract_strided_slice %select_n3A_507 {offsets = [0, 128], sizes = [8, 128], strides = [1, 1]} : vector<8x256xi32> to vector<8x128xi32>
      %lt3A_512 = arith.cmpf olt, %slice3A_509, %slice3A_508 : vector<8x128xf32>
      %select_n3A_513 = arith.select %lt3A_512, %slice3A_509, %slice3A_508 : vector<8x128xi1>, vector<8x128xf32>
      %select_n3A_514 = arith.select %lt3A_512, %slice3A_511, %slice3A_510 : vector<8x128xi1>, vector<8x128xi32>
      %reduce_min3A_515 = arith.constant dense<0x7F800000> : vector<8xf32>
      %reduce_min3A_516 = vector.multi_reduction <minimumf>, %select_n3A_513, %reduce_min3A_515 [1] : vector<8x128xf32> to vector<8xf32>
      %broadcast_in_dim3A_517 = vector.shape_cast %reduce_min3A_516 : vector<8xf32> to vector<8x1xf32>
      %eq3A_518 = vector.broadcast %broadcast_in_dim3A_517 : vector<8x1xf32> to vector<8x128xf32>
      %eq3A_519 = arith.cmpf oeq, %select_n3A_513, %eq3A_518 : vector<8x128xf32>
      %jit3A_520 = arith.constant 16777216 : i32
      %broadcast_in_dim3A_521 = vector.broadcast %jit3A_520 : i32 to vector<8x128xi32>
      %select_n3A_522 = arith.select %eq3A_519, %select_n3A_514, %broadcast_in_dim3A_521 : vector<8x128xi1>, vector<8x128xi32>
      %reduce_min3A_523 = arith.constant dense<2147483647> : vector<8xi32>
      %reduce_min3A_524 = vector.multi_reduction <minsi>, %select_n3A_522, %reduce_min3A_523 [1] : vector<8x128xi32> to vector<8xi32>
      %broadcast_in_dim3A_525 = vector.shape_cast %reduce_min3A_524 : vector<8xi32> to vector<8x1xi32>
      %eq3A_526 = vector.broadcast %scan3A_465 : i32 to vector<8x64xi32>
      %eq3A_527 = arith.cmpi eq, %iota3A_23, %eq3A_526 : vector<8x64xi32>
      %broadcast_in_dim3A_528 = vector.shape_cast %broadcast_in_dim3A_525 : vector<8x1xi32> to vector<8x1xi32>
      %broadcast_in_dim3A_529 = vector.broadcast %broadcast_in_dim3A_528 : vector<8x1xi32> to vector<8x64xi32>
      %select_n3A_530 = arith.select %eq3A_527, %broadcast_in_dim3A_529, %select_n3A_458 : vector<8x64xi1>, vector<8x64xi32>
      %eq3A_531 = vector.broadcast %broadcast_in_dim3A_525 : vector<8x1xi32> to vector<8x16384xi32>
      %eq3A_532 = arith.cmpi eq, %iota3A, %eq3A_531 : vector<8x16384xi32>
      %jit3A_533 = arith.constant 9.99999995E+11 : f32
      %broadcast_in_dim3A_534 = vector.broadcast %jit3A_533 : f32 to vector<8x16384xf32>
      %select_n3A_535 = arith.select %eq3A_532, %broadcast_in_dim3A_534, %select_n3A_463 : vector<8x16384xi1>, vector<8x16384xf32>
      %scan3A_536 = arith.constant 7 : i32
      %scan3A_537 = arith.addi %scan3A_33, %scan3A_536 : i32
      %slice3A_538 = vector.extract_strided_slice %select_n3A_535 {offsets = [0, 0], sizes = [8, 8192], strides = [1, 1]} : vector<8x16384xf32> to vector<8x8192xf32>
      %slice3A_539 = vector.extract_strided_slice %select_n3A_535 {offsets = [0, 8192], sizes = [8, 8192], strides = [1, 1]} : vector<8x16384xf32> to vector<8x8192xf32>
      %slice3A_540 = vector.extract_strided_slice %iota3A {offsets = [0, 0], sizes = [8, 8192], strides = [1, 1]} : vector<8x16384xi32> to vector<8x8192xi32>
      %slice3A_541 = vector.extract_strided_slice %iota3A {offsets = [0, 8192], sizes = [8, 8192], strides = [1, 1]} : vector<8x16384xi32> to vector<8x8192xi32>
      %lt3A_542 = arith.cmpf olt, %slice3A_539, %slice3A_538 : vector<8x8192xf32>
      %select_n3A_543 = arith.select %lt3A_542, %slice3A_539, %slice3A_538 : vector<8x8192xi1>, vector<8x8192xf32>
      %select_n3A_544 = arith.select %lt3A_542, %slice3A_541, %slice3A_540 : vector<8x8192xi1>, vector<8x8192xi32>
      %slice3A_545 = vector.extract_strided_slice %select_n3A_543 {offsets = [0, 0], sizes = [8, 4096], strides = [1, 1]} : vector<8x8192xf32> to vector<8x4096xf32>
      %slice3A_546 = vector.extract_strided_slice %select_n3A_543 {offsets = [0, 4096], sizes = [8, 4096], strides = [1, 1]} : vector<8x8192xf32> to vector<8x4096xf32>
      %slice3A_547 = vector.extract_strided_slice %select_n3A_544 {offsets = [0, 0], sizes = [8, 4096], strides = [1, 1]} : vector<8x8192xi32> to vector<8x4096xi32>
      %slice3A_548 = vector.extract_strided_slice %select_n3A_544 {offsets = [0, 4096], sizes = [8, 4096], strides = [1, 1]} : vector<8x8192xi32> to vector<8x4096xi32>
      %lt3A_549 = arith.cmpf olt, %slice3A_546, %slice3A_545 : vector<8x4096xf32>
      %select_n3A_550 = arith.select %lt3A_549, %slice3A_546, %slice3A_545 : vector<8x4096xi1>, vector<8x4096xf32>
      %select_n3A_551 = arith.select %lt3A_549, %slice3A_548, %slice3A_547 : vector<8x4096xi1>, vector<8x4096xi32>
      %slice3A_552 = vector.extract_strided_slice %select_n3A_550 {offsets = [0, 0], sizes = [8, 2048], strides = [1, 1]} : vector<8x4096xf32> to vector<8x2048xf32>
      %slice3A_553 = vector.extract_strided_slice %select_n3A_550 {offsets = [0, 2048], sizes = [8, 2048], strides = [1, 1]} : vector<8x4096xf32> to vector<8x2048xf32>
      %slice3A_554 = vector.extract_strided_slice %select_n3A_551 {offsets = [0, 0], sizes = [8, 2048], strides = [1, 1]} : vector<8x4096xi32> to vector<8x2048xi32>
      %slice3A_555 = vector.extract_strided_slice %select_n3A_551 {offsets = [0, 2048], sizes = [8, 2048], strides = [1, 1]} : vector<8x4096xi32> to vector<8x2048xi32>
      %lt3A_556 = arith.cmpf olt, %slice3A_553, %slice3A_552 : vector<8x2048xf32>
      %select_n3A_557 = arith.select %lt3A_556, %slice3A_553, %slice3A_552 : vector<8x2048xi1>, vector<8x2048xf32>
      %select_n3A_558 = arith.select %lt3A_556, %slice3A_555, %slice3A_554 : vector<8x2048xi1>, vector<8x2048xi32>
      %slice3A_559 = vector.extract_strided_slice %select_n3A_557 {offsets = [0, 0], sizes = [8, 1024], strides = [1, 1]} : vector<8x2048xf32> to vector<8x1024xf32>
      %slice3A_560 = vector.extract_strided_slice %select_n3A_557 {offsets = [0, 1024], sizes = [8, 1024], strides = [1, 1]} : vector<8x2048xf32> to vector<8x1024xf32>
      %slice3A_561 = vector.extract_strided_slice %select_n3A_558 {offsets = [0, 0], sizes = [8, 1024], strides = [1, 1]} : vector<8x2048xi32> to vector<8x1024xi32>
      %slice3A_562 = vector.extract_strided_slice %select_n3A_558 {offsets = [0, 1024], sizes = [8, 1024], strides = [1, 1]} : vector<8x2048xi32> to vector<8x1024xi32>
      %lt3A_563 = arith.cmpf olt, %slice3A_560, %slice3A_559 : vector<8x1024xf32>
      %select_n3A_564 = arith.select %lt3A_563, %slice3A_560, %slice3A_559 : vector<8x1024xi1>, vector<8x1024xf32>
      %select_n3A_565 = arith.select %lt3A_563, %slice3A_562, %slice3A_561 : vector<8x1024xi1>, vector<8x1024xi32>
      %slice3A_566 = vector.extract_strided_slice %select_n3A_564 {offsets = [0, 0], sizes = [8, 512], strides = [1, 1]} : vector<8x1024xf32> to vector<8x512xf32>
      %slice3A_567 = vector.extract_strided_slice %select_n3A_564 {offsets = [0, 512], sizes = [8, 512], strides = [1, 1]} : vector<8x1024xf32> to vector<8x512xf32>
      %slice3A_568 = vector.extract_strided_slice %select_n3A_565 {offsets = [0, 0], sizes = [8, 512], strides = [1, 1]} : vector<8x1024xi32> to vector<8x512xi32>
      %slice3A_569 = vector.extract_strided_slice %select_n3A_565 {offsets = [0, 512], sizes = [8, 512], strides = [1, 1]} : vector<8x1024xi32> to vector<8x512xi32>
      %lt3A_570 = arith.cmpf olt, %slice3A_567, %slice3A_566 : vector<8x512xf32>
      %select_n3A_571 = arith.select %lt3A_570, %slice3A_567, %slice3A_566 : vector<8x512xi1>, vector<8x512xf32>
      %select_n3A_572 = arith.select %lt3A_570, %slice3A_569, %slice3A_568 : vector<8x512xi1>, vector<8x512xi32>
      %slice3A_573 = vector.extract_strided_slice %select_n3A_571 {offsets = [0, 0], sizes = [8, 256], strides = [1, 1]} : vector<8x512xf32> to vector<8x256xf32>
      %slice3A_574 = vector.extract_strided_slice %select_n3A_571 {offsets = [0, 256], sizes = [8, 256], strides = [1, 1]} : vector<8x512xf32> to vector<8x256xf32>
      %slice3A_575 = vector.extract_strided_slice %select_n3A_572 {offsets = [0, 0], sizes = [8, 256], strides = [1, 1]} : vector<8x512xi32> to vector<8x256xi32>
      %slice3A_576 = vector.extract_strided_slice %select_n3A_572 {offsets = [0, 256], sizes = [8, 256], strides = [1, 1]} : vector<8x512xi32> to vector<8x256xi32>
      %lt3A_577 = arith.cmpf olt, %slice3A_574, %slice3A_573 : vector<8x256xf32>
      %select_n3A_578 = arith.select %lt3A_577, %slice3A_574, %slice3A_573 : vector<8x256xi1>, vector<8x256xf32>
      %select_n3A_579 = arith.select %lt3A_577, %slice3A_576, %slice3A_575 : vector<8x256xi1>, vector<8x256xi32>
      %slice3A_580 = vector.extract_strided_slice %select_n3A_578 {offsets = [0, 0], sizes = [8, 128], strides = [1, 1]} : vector<8x256xf32> to vector<8x128xf32>
      %slice3A_581 = vector.extract_strided_slice %select_n3A_578 {offsets = [0, 128], sizes = [8, 128], strides = [1, 1]} : vector<8x256xf32> to vector<8x128xf32>
      %slice3A_582 = vector.extract_strided_slice %select_n3A_579 {offsets = [0, 0], sizes = [8, 128], strides = [1, 1]} : vector<8x256xi32> to vector<8x128xi32>
      %slice3A_583 = vector.extract_strided_slice %select_n3A_579 {offsets = [0, 128], sizes = [8, 128], strides = [1, 1]} : vector<8x256xi32> to vector<8x128xi32>
      %lt3A_584 = arith.cmpf olt, %slice3A_581, %slice3A_580 : vector<8x128xf32>
      %select_n3A_585 = arith.select %lt3A_584, %slice3A_581, %slice3A_580 : vector<8x128xi1>, vector<8x128xf32>
      %select_n3A_586 = arith.select %lt3A_584, %slice3A_583, %slice3A_582 : vector<8x128xi1>, vector<8x128xi32>
      %reduce_min3A_587 = arith.constant dense<0x7F800000> : vector<8xf32>
      %reduce_min3A_588 = vector.multi_reduction <minimumf>, %select_n3A_585, %reduce_min3A_587 [1] : vector<8x128xf32> to vector<8xf32>
      %broadcast_in_dim3A_589 = vector.shape_cast %reduce_min3A_588 : vector<8xf32> to vector<8x1xf32>
      %eq3A_590 = vector.broadcast %broadcast_in_dim3A_589 : vector<8x1xf32> to vector<8x128xf32>
      %eq3A_591 = arith.cmpf oeq, %select_n3A_585, %eq3A_590 : vector<8x128xf32>
      %jit3A_592 = arith.constant 16777216 : i32
      %broadcast_in_dim3A_593 = vector.broadcast %jit3A_592 : i32 to vector<8x128xi32>
      %select_n3A_594 = arith.select %eq3A_591, %select_n3A_586, %broadcast_in_dim3A_593 : vector<8x128xi1>, vector<8x128xi32>
      %reduce_min3A_595 = arith.constant dense<2147483647> : vector<8xi32>
      %reduce_min3A_596 = vector.multi_reduction <minsi>, %select_n3A_594, %reduce_min3A_595 [1] : vector<8x128xi32> to vector<8xi32>
      %broadcast_in_dim3A_597 = vector.shape_cast %reduce_min3A_596 : vector<8xi32> to vector<8x1xi32>
      %eq3A_598 = vector.broadcast %scan3A_537 : i32 to vector<8x64xi32>
      %eq3A_599 = arith.cmpi eq, %iota3A_23, %eq3A_598 : vector<8x64xi32>
      %broadcast_in_dim3A_600 = vector.shape_cast %broadcast_in_dim3A_597 : vector<8x1xi32> to vector<8x1xi32>
      %broadcast_in_dim3A_601 = vector.broadcast %broadcast_in_dim3A_600 : vector<8x1xi32> to vector<8x64xi32>
      %select_n3A_602 = arith.select %eq3A_599, %broadcast_in_dim3A_601, %select_n3A_530 : vector<8x64xi1>, vector<8x64xi32>
      %eq3A_603 = vector.broadcast %broadcast_in_dim3A_597 : vector<8x1xi32> to vector<8x16384xi32>
      %eq3A_604 = arith.cmpi eq, %iota3A, %eq3A_603 : vector<8x16384xi32>
      %jit3A_605 = arith.constant 9.99999995E+11 : f32
      %broadcast_in_dim3A_606 = vector.broadcast %jit3A_605 : f32 to vector<8x16384xf32>
      %select_n3A_607 = arith.select %eq3A_604, %broadcast_in_dim3A_606, %select_n3A_535 : vector<8x16384xi1>, vector<8x16384xf32>
      scf.yield %select_n3A_607, %select_n3A_602 : vector<8x16384xf32>, vector<8x64xi32>
    }
    %scan3A_30 = arith.constant 64 : i32
    %swap3A = arith.constant 0 : index
    %swap3A_31 = arith.constant 0 : index
    %swap3A_32 = vector.load %arg2[%swap3A, %swap3A_31] : memref<8x64xi32, #tpu.memory_space<vmem>>, vector<8x64xi32>
    tpu.vector_store %arg2[%swap3A, %swap3A_31], %scan3A_29#1 {strides = array<i32>} : memref<8x64xi32, #tpu.memory_space<vmem>>, vector<8x64xi32>,
    return
  }
  func.func @transform_0(%arg0: i32) -> (i32, i32) {
    %c0_i32 = arith.constant 0 : i32
    %c0_i32_0 = arith.constant 0 : i32
    return %arg0, %c0_i32 : i32, i32
  }
  func.func @transform_1(%arg0: i32) -> (i32, i32) {
    %c0_i32 = arith.constant 0 : i32
    %c0_i32_0 = arith.constant 0 : i32
    return %arg0, %c0_i32 : i32, i32
  }
  func.func @transform_2(%arg0: i32) -> (i32, i32) {
    %c0_i32 = arith.constant 0 : i32
    %c0_i32_0 = arith.constant 0 : i32
    %c0_i32_1 = arith.constant 0 : i32
    return %c0_i32, %c0_i32_0 : i32, i32
  }
}

module attributes {stable_mosaic.version = 14 : i64} {
  func.func @_ot_kernel(%arg0: i32, %arg1: memref<8x64x256xf32, #tpu.memory_space<vmem>>, %arg2: memref<8x64x256xf32, #tpu.memory_space<vmem>>, %arg3: memref<8x64xf32, #tpu.memory_space<vmem>>, %arg4: memref<8x64xf32, #tpu.memory_space<vmem>>, %arg5: memref<1x1xf32, #tpu.memory_space<vmem>>, %arg6: memref<8x65x65xf32, #tpu.memory_space<vmem>>) attributes {dimension_semantics = [#tpu.dimension_semantics<arbitrary>], iteration_bounds = array<i64: 32>, scalar_prefetch = 0 : i64, scratch_operands = 0 : i64, tpu.core_type = #tpu.core_type<tc>, window_params = [{transform_indices = @transform_0, window_bounds = array<i64: 8, 64, 256>}, {transform_indices = @transform_1, window_bounds = array<i64: 8, 64, 256>}, {transform_indices = @transform_2, window_bounds = array<i64: 8, 64>}, {transform_indices = @transform_3, window_bounds = array<i64: 8, 64>}, {pipeline_mode = #tpu.pipeline_mode<synchronous>, transform_indices = @transform_4, window_bounds = array<i64: 1, 1>}, {transform_indices = @transform_5, window_bounds = array<i64: 8, 65, 65>}]} {
    %get3A = arith.constant 0 : index
    %get3A_0 = arith.constant 0 : index
    %get3A_1 = arith.constant 0 : index
    %get3A_2 = vector.load %arg1[%get3A, %get3A_0, %get3A_1] : memref<8x64x256xf32, #tpu.memory_space<vmem>>, vector<8x64x256xf32>
    %get3A_3 = arith.constant 0 : index
    %get3A_4 = arith.constant 0 : index
    %get3A_5 = arith.constant 0 : index
    %get3A_6 = vector.load %arg2[%get3A_3, %get3A_4, %get3A_5] : memref<8x64x256xf32, #tpu.memory_space<vmem>>, vector<8x64x256xf32>
    %dot_general3A = arith.constant dense<0.000000e+00> : vector<8x64x64xf32>
    %dot_general3A_7 = tpu.matmul %get3A_2, %get3A_6, %dot_general3A {dimension_numbers = #tpu.dot_dimension_numbers<[2], [2], [1], [1], [0, 0, 0, 1, 1, 1], [0], [0]>, transpose_lhs_hint = false} : vector<8x64x256xf32>, vector<8x64x256xf32>, vector<8x64x64xf32> -> vector<8x64x64xf32>
    %mul3A = arith.constant 6.250000e-02 : f32
    %mul3A_8 = vector.broadcast %mul3A : f32 to vector<8x64x64xf32>
    %mul3A_9 = arith.mulf %dot_general3A_7, %mul3A_8 : vector<8x64x64xf32>
    %get3A_10 = arith.constant 0 : index
    %get3A_11 = arith.constant 0 : index
    %get3A_12 = vector.load %arg3[%get3A_10, %get3A_11] : memref<8x64xf32, #tpu.memory_space<vmem>>, vector<8x64xf32>
    %get3A_13 = arith.constant 0 : index
    %get3A_14 = arith.constant 0 : index
    %get3A_15 = vector.load %arg4[%get3A_13, %get3A_14] : memref<8x64xf32, #tpu.memory_space<vmem>>, vector<8x64xf32>
    %get3A_16 = arith.constant 0 : index
    %get3A_17 = arith.constant 0 : index
    %get3A_18 = vector.load %arg5[%get3A_16, %get3A_17] : memref<1x1xf32, #tpu.memory_space<vmem>>, vector<1x1xf32>
    %get3A_19 = vector.extract %get3A_18[0, 0] : f32 from vector<1x1xf32>
    %broadcast_in_dim3A = vector.broadcast %get3A_19 : f32 to vector<8x64x1xf32>
    %broadcast_in_dim3A_20 = vector.broadcast %get3A_19 : f32 to vector<8x1x65xf32>
    %concatenate3A = tpu.concatenate %mul3A_9, %broadcast_in_dim3A in 2 : vector<8x64x64xf32>, vector<8x64x1xf32> -> vector<8x64x65xf32>
    %concatenate3A_21 = tpu.concatenate %concatenate3A, %broadcast_in_dim3A_20 in 1 : vector<8x64x65xf32>, vector<8x1x65xf32> -> vector<8x65x65xf32>
    %broadcast_in_dim3A_22 = arith.constant 1.000000e+00 : f32
    %broadcast_in_dim3A_23 = vector.broadcast %broadcast_in_dim3A_22 : f32 to vector<8x1xf32>
    %concatenate3A_24 = tpu.concatenate %get3A_12, %broadcast_in_dim3A_23 in 1 : vector<8x64xf32>, vector<8x1xf32> -> vector<8x65xf32>
    %concatenate3A_25 = tpu.concatenate %get3A_15, %broadcast_in_dim3A_23 in 1 : vector<8x64xf32>, vector<8x1xf32> -> vector<8x65xf32>
    %broadcast_in_dim3A_26 = vector.shape_cast %concatenate3A_24 : vector<8x65xf32> to vector<8x65x1xf32>
    %broadcast_in_dim3A_27 = vector.shape_cast %concatenate3A_25 : vector<8x65xf32> to vector<8x1x65xf32>
    %mul3A_28 = vector.broadcast %broadcast_in_dim3A_26 : vector<8x65x1xf32> to vector<8x65x65xf32>
    %mul3A_29 = vector.broadcast %broadcast_in_dim3A_27 : vector<8x1x65xf32> to vector<8x65x65xf32>
    %mul3A_30 = arith.mulf %mul3A_28, %mul3A_29 : vector<8x65x65xf32>
    %gt3A = arith.constant 5.000000e-01 : f32
    %gt3A_31 = vector.broadcast %gt3A : f32 to vector<8x65x65xf32>
    %gt3A_32 = arith.cmpf ogt, %mul3A_30, %gt3A_31 : vector<8x65x65xf32>
    %jit3A = arith.constant -9.99999995E+11 : f32
    %broadcast_in_dim3A_33 = vector.broadcast %jit3A : f32 to vector<8x65x65xf32>
    %select_n3A = arith.select %gt3A_32, %concatenate3A_21, %broadcast_in_dim3A_33 : vector<8x65x65xi1>, vector<8x65x65xf32>
    %reduce_sum3A = arith.constant dense<0.000000e+00> : vector<8xf32>
    %reduce_sum3A_34 = vector.multi_reduction <add>, %get3A_12, %reduce_sum3A [1] : vector<8x64xf32> to vector<8xf32>
    %reduce_sum3A_35 = arith.constant dense<0.000000e+00> : vector<8xf32>
    %reduce_sum3A_36 = vector.multi_reduction <add>, %get3A_15, %reduce_sum3A_35 [1] : vector<8x64xf32> to vector<8xf32>
    %add3A = arith.addf %reduce_sum3A_34, %reduce_sum3A_36 : vector<8xf32>
    %max3A = arith.constant 1.000000e+00 : f32
    %max3A_37 = vector.broadcast %max3A : f32 to vector<8xf32>
    %max3A_38 = arith.maximumf %add3A, %max3A_37 : vector<8xf32>
    %log3A = math.log %max3A_38 : vector<8xf32>
    %neg3A = arith.constant 0.000000e+00 : f32
    %neg3A_39 = vector.broadcast %neg3A : f32 to vector<8xf32>
    %neg3A_40 = arith.subf %neg3A_39, %log3A : vector<8xf32>
    %gt3A_41 = arith.constant 5.000000e-01 : f32
    %gt3A_42 = vector.broadcast %gt3A_41 : f32 to vector<8x64xf32>
    %gt3A_43 = arith.cmpf ogt, %get3A_12, %gt3A_42 : vector<8x64xf32>
    %broadcast_in_dim3A_44 = vector.shape_cast %neg3A_40 : vector<8xf32> to vector<8x1xf32>
    %jit3A_45 = arith.constant -9.99999995E+11 : f32
    %broadcast_in_dim3A_46 = vector.shape_cast %broadcast_in_dim3A_44 : vector<8x1xf32> to vector<8x1xf32>
    %broadcast_in_dim3A_47 = vector.broadcast %broadcast_in_dim3A_46 : vector<8x1xf32> to vector<8x64xf32>
    %broadcast_in_dim3A_48 = vector.broadcast %jit3A_45 : f32 to vector<8x64xf32>
    %select_n3A_49 = arith.select %gt3A_43, %broadcast_in_dim3A_47, %broadcast_in_dim3A_48 : vector<8x64xi1>, vector<8x64xf32>
    %max3A_50 = arith.constant 1.000000e+00 : f32
    %max3A_51 = vector.broadcast %max3A_50 : f32 to vector<8xf32>
    %max3A_52 = arith.maximumf %reduce_sum3A_36, %max3A_51 : vector<8xf32>
    %log3A_53 = math.log %max3A_52 : vector<8xf32>
    %add3A_54 = arith.addf %log3A_53, %neg3A_40 : vector<8xf32>
    %broadcast_in_dim3A_55 = vector.shape_cast %add3A_54 : vector<8xf32> to vector<8x1xf32>
    %concatenate3A_56 = tpu.concatenate %select_n3A_49, %broadcast_in_dim3A_55 in 1 : vector<8x64xf32>, vector<8x1xf32> -> vector<8x65xf32>
    %gt3A_57 = arith.constant 5.000000e-01 : f32
    %gt3A_58 = vector.broadcast %gt3A_57 : f32 to vector<8x64xf32>
    %gt3A_59 = arith.cmpf ogt, %get3A_15, %gt3A_58 : vector<8x64xf32>
    %broadcast_in_dim3A_60 = vector.shape_cast %neg3A_40 : vector<8xf32> to vector<8x1xf32>
    %jit3A_61 = arith.constant -9.99999995E+11 : f32
    %broadcast_in_dim3A_62 = vector.shape_cast %broadcast_in_dim3A_60 : vector<8x1xf32> to vector<8x1xf32>
    %broadcast_in_dim3A_63 = vector.broadcast %broadcast_in_dim3A_62 : vector<8x1xf32> to vector<8x64xf32>
    %broadcast_in_dim3A_64 = vector.broadcast %jit3A_61 : f32 to vector<8x64xf32>
    %select_n3A_65 = arith.select %gt3A_59, %broadcast_in_dim3A_63, %broadcast_in_dim3A_64 : vector<8x64xi1>, vector<8x64xf32>
    %max3A_66 = arith.constant 1.000000e+00 : f32
    %max3A_67 = vector.broadcast %max3A_66 : f32 to vector<8xf32>
    %max3A_68 = arith.maximumf %reduce_sum3A_34, %max3A_67 : vector<8xf32>
    %log3A_69 = math.log %max3A_68 : vector<8xf32>
    %add3A_70 = arith.addf %log3A_69, %neg3A_40 : vector<8xf32>
    %broadcast_in_dim3A_71 = vector.shape_cast %add3A_70 : vector<8xf32> to vector<8x1xf32>
    %concatenate3A_72 = tpu.concatenate %select_n3A_65, %broadcast_in_dim3A_71 in 1 : vector<8x64xf32>, vector<8x1xf32> -> vector<8x65xf32>
    %exp3A = math.exp %select_n3A : vector<8x65x65xf32>
    %gt3A_73 = arith.constant 5.000000e-01 : f32
    %gt3A_74 = vector.broadcast %gt3A_73 : f32 to vector<8x65xf32>
    %gt3A_75 = arith.cmpf ogt, %concatenate3A_24, %gt3A_74 : vector<8x65xf32>
    %gt3A_76 = arith.constant 5.000000e-01 : f32
    %gt3A_77 = vector.broadcast %gt3A_76 : f32 to vector<8x65xf32>
    %gt3A_78 = arith.cmpf ogt, %concatenate3A_25, %gt3A_77 : vector<8x65xf32>
    %broadcast_in_dim3A_79 = arith.constant 0.000000e+00 : f32
    %broadcast_in_dim3A_80 = vector.broadcast %broadcast_in_dim3A_79 : f32 to vector<8x65xf32>
    %broadcast_in_dim3A_81 = arith.constant 0.000000e+00 : f32
    %broadcast_in_dim3A_82 = vector.broadcast %broadcast_in_dim3A_81 : f32 to vector<8x65xf32>
    %scan3A = arith.constant 0 : i32
    %scan3A_83 = arith.constant 100 : i32
    %scan3A_84 = arith.addi %scan3A, %scan3A_83 : i32
    %scan3A_85 = arith.constant 2 : i32
    %scan3A_86:2 = scf.for %scan3A_98 = %scan3A to %scan3A_84 step %scan3A_85 iter_args(%scan3A_99 = %broadcast_in_dim3A_80, %scan3A_100 = %broadcast_in_dim3A_82) -> (vector<8x65xf32>, vector<8x65xf32>)  : i32 {
      %exp3A_101 = math.exp %scan3A_100 : vector<8x65xf32>
      %broadcast_in_dim3A_102 = vector.shape_cast %exp3A_101 : vector<8x65xf32> to vector<8x1x65xf32>
      %mul3A_103 = vector.broadcast %broadcast_in_dim3A_102 : vector<8x1x65xf32> to vector<8x65x65xf32>
      %mul3A_104 = arith.mulf %exp3A, %mul3A_103 : vector<8x65x65xf32>
      %reduce_sum3A_105 = arith.constant dense<0.000000e+00> : vector<8x65xf32>
      %reduce_sum3A_106 = vector.multi_reduction <add>, %mul3A_104, %reduce_sum3A_105 [2] : vector<8x65x65xf32> to vector<8x65xf32>
      %log3A_107 = math.log %reduce_sum3A_106 : vector<8x65xf32>
      %sub3A_108 = arith.subf %concatenate3A_56, %log3A_107 : vector<8x65xf32>
      %jit3A_109 = arith.constant 0.000000e+00 : f32
      %broadcast_in_dim3A_110 = vector.broadcast %jit3A_109 : f32 to vector<8x65xf32>
      %select_n3A_111 = arith.select %gt3A_75, %sub3A_108, %broadcast_in_dim3A_110 : vector<8x65xi1>, vector<8x65xf32>
      %exp3A_112 = math.exp %select_n3A_111 : vector<8x65xf32>
      %broadcast_in_dim3A_113 = vector.shape_cast %exp3A_112 : vector<8x65xf32> to vector<8x65x1xf32>
      %mul3A_114 = vector.broadcast %broadcast_in_dim3A_113 : vector<8x65x1xf32> to vector<8x65x65xf32>
      %mul3A_115 = arith.mulf %exp3A, %mul3A_114 : vector<8x65x65xf32>
      %reduce_sum3A_116 = arith.constant dense<0.000000e+00> : vector<8x65xf32>
      %reduce_sum3A_117 = vector.multi_reduction <add>, %mul3A_115, %reduce_sum3A_116 [1] : vector<8x65x65xf32> to vector<8x65xf32>
      %log3A_118 = math.log %reduce_sum3A_117 : vector<8x65xf32>
      %sub3A_119 = arith.subf %concatenate3A_72, %log3A_118 : vector<8x65xf32>
      %jit3A_120 = arith.constant 0.000000e+00 : f32
      %broadcast_in_dim3A_121 = vector.broadcast %jit3A_120 : f32 to vector<8x65xf32>
      %select_n3A_122 = arith.select %gt3A_78, %sub3A_119, %broadcast_in_dim3A_121 : vector<8x65xi1>, vector<8x65xf32>
      %scan3A_123 = arith.constant 1 : i32
      %scan3A_124 = arith.addi %scan3A_98, %scan3A_123 : i32
      %exp3A_125 = math.exp %select_n3A_122 : vector<8x65xf32>
      %broadcast_in_dim3A_126 = vector.shape_cast %exp3A_125 : vector<8x65xf32> to vector<8x1x65xf32>
      %mul3A_127 = vector.broadcast %broadcast_in_dim3A_126 : vector<8x1x65xf32> to vector<8x65x65xf32>
      %mul3A_128 = arith.mulf %exp3A, %mul3A_127 : vector<8x65x65xf32>
      %reduce_sum3A_129 = arith.constant dense<0.000000e+00> : vector<8x65xf32>
      %reduce_sum3A_130 = vector.multi_reduction <add>, %mul3A_128, %reduce_sum3A_129 [2] : vector<8x65x65xf32> to vector<8x65xf32>
      %log3A_131 = math.log %reduce_sum3A_130 : vector<8x65xf32>
      %sub3A_132 = arith.subf %concatenate3A_56, %log3A_131 : vector<8x65xf32>
      %jit3A_133 = arith.constant 0.000000e+00 : f32
      %broadcast_in_dim3A_134 = vector.broadcast %jit3A_133 : f32 to vector<8x65xf32>
      %select_n3A_135 = arith.select %gt3A_75, %sub3A_132, %broadcast_in_dim3A_134 : vector<8x65xi1>, vector<8x65xf32>
      %exp3A_136 = math.exp %select_n3A_135 : vector<8x65xf32>
      %broadcast_in_dim3A_137 = vector.shape_cast %exp3A_136 : vector<8x65xf32> to vector<8x65x1xf32>
      %mul3A_138 = vector.broadcast %broadcast_in_dim3A_137 : vector<8x65x1xf32> to vector<8x65x65xf32>
      %mul3A_139 = arith.mulf %exp3A, %mul3A_138 : vector<8x65x65xf32>
      %reduce_sum3A_140 = arith.constant dense<0.000000e+00> : vector<8x65xf32>
      %reduce_sum3A_141 = vector.multi_reduction <add>, %mul3A_139, %reduce_sum3A_140 [1] : vector<8x65x65xf32> to vector<8x65xf32>
      %log3A_142 = math.log %reduce_sum3A_141 : vector<8x65xf32>
      %sub3A_143 = arith.subf %concatenate3A_72, %log3A_142 : vector<8x65xf32>
      %jit3A_144 = arith.constant 0.000000e+00 : f32
      %broadcast_in_dim3A_145 = vector.broadcast %jit3A_144 : f32 to vector<8x65xf32>
      %select_n3A_146 = arith.select %gt3A_78, %sub3A_143, %broadcast_in_dim3A_145 : vector<8x65xi1>, vector<8x65xf32>
      scf.yield %select_n3A_135, %select_n3A_146 : vector<8x65xf32>, vector<8x65xf32>
    }
    %broadcast_in_dim3A_87 = vector.shape_cast %scan3A_86#0 : vector<8x65xf32> to vector<8x65x1xf32>
    %add3A_88 = vector.broadcast %broadcast_in_dim3A_87 : vector<8x65x1xf32> to vector<8x65x65xf32>
    %add3A_89 = arith.addf %select_n3A, %add3A_88 : vector<8x65x65xf32>
    %broadcast_in_dim3A_90 = vector.shape_cast %scan3A_86#1 : vector<8x65xf32> to vector<8x1x65xf32>
    %add3A_91 = vector.broadcast %broadcast_in_dim3A_90 : vector<8x1x65xf32> to vector<8x65x65xf32>
    %add3A_92 = arith.addf %add3A_89, %add3A_91 : vector<8x65x65xf32>
    %broadcast_in_dim3A_93 = vector.shape_cast %neg3A_40 : vector<8xf32> to vector<8x1x1xf32>
    %sub3A = vector.broadcast %broadcast_in_dim3A_93 : vector<8x1x1xf32> to vector<8x65x65xf32>
    %sub3A_94 = arith.subf %add3A_92, %sub3A : vector<8x65x65xf32>
    %swap3A = arith.constant 0 : index
    %swap3A_95 = arith.constant 0 : index
    %swap3A_96 = arith.constant 0 : index
    %swap3A_97 = vector.load %arg6[%swap3A, %swap3A_95, %swap3A_96] : memref<8x65x65xf32, #tpu.memory_space<vmem>>, vector<8x65x65xf32>
    tpu.vector_store %arg6[%swap3A, %swap3A_95, %swap3A_96], %sub3A_94 {strides = array<i32>} : memref<8x65x65xf32, #tpu.memory_space<vmem>>, vector<8x65x65xf32>,
    return
  }
  func.func @transform_0(%arg0: i32) -> (i32, i32, i32) {
    %c0_i32 = arith.constant 0 : i32
    %c0_i32_0 = arith.constant 0 : i32
    %c0_i32_1 = arith.constant 0 : i32
    return %arg0, %c0_i32, %c0_i32_0 : i32, i32, i32
  }
  func.func @transform_1(%arg0: i32) -> (i32, i32, i32) {
    %c0_i32 = arith.constant 0 : i32
    %c0_i32_0 = arith.constant 0 : i32
    %c0_i32_1 = arith.constant 0 : i32
    return %arg0, %c0_i32, %c0_i32_0 : i32, i32, i32
  }
  func.func @transform_2(%arg0: i32) -> (i32, i32) {
    %c0_i32 = arith.constant 0 : i32
    %c0_i32_0 = arith.constant 0 : i32
    return %arg0, %c0_i32 : i32, i32
  }
  func.func @transform_3(%arg0: i32) -> (i32, i32) {
    %c0_i32 = arith.constant 0 : i32
    %c0_i32_0 = arith.constant 0 : i32
    return %arg0, %c0_i32 : i32, i32
  }
  func.func @transform_4(%arg0: i32) -> (i32, i32) {
    %c0_i32 = arith.constant 0 : i32
    %c0_i32_0 = arith.constant 0 : i32
    %c0_i32_1 = arith.constant 0 : i32
    return %c0_i32, %c0_i32_0 : i32, i32
  }
  func.func @transform_5(%arg0: i32) -> (i32, i32, i32) {
    %c0_i32 = arith.constant 0 : i32
    %c0_i32_0 = arith.constant 0 : i32
    %c0_i32_1 = arith.constant 0 : i32
    return %arg0, %c0_i32, %c0_i32_0 : i32, i32, i32
  }
}

</mosaic_0001>

<sc_bundles>
// kernel: kernel.6.cloned.1.call-start
scs
__scs_entry_jumppad:
0x0: {  	(pc) =	sbr.rel $0x88, $3  }
0x1: {  	(tag) =	ssettag $0x0;
	lr =	simm.s32 $0x1  }
0x2: {  	[smem:$0x3F98] =	sst lr;
	_ =	strace $0xD0000000  }
0x3: {  	_ = 	snop  }
0x4: {  	_ = 	snop  }
0x5: {  	_ = 	snop  }
0x6: {  	_ = 	snop  }
0x7: {  	_ = 	snop  }
__scs_overlays_trampoline_lowered:
0x8: {  	[smem:$0x3FA7] =	sst s0  }
0x9: {  	[smem:$0x3FA8] =	sst s1  }
0xa: {  	[smem:$0x3FA9] =	sst s2  }
0xb: {  	[smem:$0x3FAA] =	sst s3  }
0xc: {  	[smem:$0x3FAB] =	sst s4  }
0xd: {  	[smem:$0x3FAC] =	sst s5  }
0xe: {  	[smem:$0x3FAD] =	sst s6  }
0xf: {  	[smem:$0x3FAE] =	sst s7  }
0x10: {  	[smem:$0x3FAF] =	sst s8  }
0x11: {  	[smem:$0x3FB0] =	sst s9;
	s0 =	simm.s32 @!p0 $0x0  }
0x12: {  	s1 =	sld [smem:$0x3F96];
	s0 =	simm.s32 @p0 $0x1  }
0x13: {  	[smem:$0x3FB1] =	sst s0;
	s0 =	simm.s32 @!p1 $0x0  }
0x14: {  	s2 =	sld [smem:$0x3F95];
	s0 =	simm.s32 @p1 $0x1  }
0x15: {  	[smem:$0x3FB2] =	sst s0;
	s0 =	simm.s32 @!p2 $0x0  }
0x16: {  	s3 =	sld [smem:$0x3FDB];
	s0 =	simm.s32 @p2 $0x1  }
0x17: {  	s4 =	simm.s32 $0x1BF5;
	[smem:$0x3FB4] =	sst s0  }
0x18: {  	s0 =	sld [smem:$0x3F97];
	_ =	swait.ge [sflag:s4], $0x0  }
0x19: {  	s7 =	sld [smem:$0x3F98]  }
0x1a: {  	s8 =	sadd.s32 $0xFFFFE003, lr  }
0x1b: {  	s9 =	sadd.s32 $0xFFFFFEF7, lr;
	s5 =	simm.s32 $0xFFFFFFFF;
	p2 =	slt.u32 s8, $0xFFFFF086  }
0x1c: {  	p1 =	slt.u32 s9, $0xF7A;
	s5 =	simm.s32 @!p2 $0x0  }
0x1d: {  	s5 =	simm.s32 @p1 $0x1;
	p0 =	seq.s32 s7, s2  }
0x1e: {  	s7 =	smul.u32 @!p0 $0xF7A, s2;
	p2 =	seq.s32 @!p0 s5, $0x0  }
0x1f: {  	s9 =	smul.u32 $0xF7A, s1;
	s8 =	simm.s32 @!p0 $0x1BF5;
	p2 =	por !p2, p0  }
0x20: {  	[sflag:s8] =	ssyncset.s32 @!p0 $0xFFFFF086;
	s6 =	sadd.s32 @!p0 s3, s7;
	s7 =	simm.s32 @!p0 $0x108  }
0x21: {  	s3 =	sadd.s32 s3, s9;
	s6 =	sadd.s32 @!p0 $0x88, s6;
	s7 =	simm.s32 @p2 $0x1082  }
0x22: {  	[simem:s7], [sflag:s8] =	dma.local @!p0 [hbm:s6], $0xF7A  }
0x23: {  	s9 =	sor.u32 $0xD0000000, s2;
	s6 =	simm.s32 $0x108;
	_ =	swait.ge @!p0 [sflag:s8], $0x0  }
0x24: {  	s3 =	sadd.s32 $0x88, s3;
	s6 =	simm.s32 @!p1 $0x1082;
	[sflag:s4] =	ssyncset.s32 $0xFFFFF086  }
0x25: {  	[simem:s6], [sflag:s4] =	dma.local [hbm:s3], $0xF7A  }
0x26: {  	[smem:$0x3F98] =	sst s1;
	(tag) =	ssettag s2;
	_ =	strace s9  }
0x27: {  	s1 =	sld [smem:$0x3FA8]  }
0x28: {  	s2 =	sld [smem:$0x3FA9]  }
0x29: {  	s4 =	sld [smem:$0x3FAB]  }
0x2a: {  	p0 =	seq.s32 s5, $0x0;
	s5 =	sld [smem:$0x3FAC]  }
0x2b: {  	s6 =	sld [smem:$0x3FAD]  }
0x2c: {  	s7 =	sld [smem:$0x3FAE]  }
0x2d: {  	s3 =	simm.s32 $0x108;
	s8 =	sld [smem:$0x3FAF]  }
0x2e: {  	s3 =	simm.s32 @!p0 $0x1082;
	s9 =	sld [smem:$0x3FB0]  }
0x2f: {  	lr =	sadd.s32 s0, s3;
	s0 =	sld [smem:$0x3FA7]  }
0x30: {  	s3 =	sld [smem:$0x3FAA]  }
0x31: {  	[smem:$0x3FB3] =	sst s10  }
0x32: {  	s10 =	sld [smem:$0x3FB1];
	_ =	sdelay $0x3  }
0x33: {  	p0 =	seq.s32 s10, $0x1;
	s10 =	sld [smem:$0x3FB3];
	_ =	sdelay $0x3  }
0x34: {  	[smem:$0x3FB3] =	sst s10  }
0x35: {  	s10 =	sld [smem:$0x3FB2];
	_ =	sdelay $0x3  }
0x36: {  	p1 =	seq.s32 s10, $0x1;
	s10 =	sld [smem:$0x3FB3];
	_ =	sdelay $0x3  }
0x37: {  	[smem:$0x3FB3] =	sst s10  }
0x38: {  	s10 =	sld [smem:$0x3FB4]  }
0x39: {  	_ = 	snop;
	(pc) =	sbr.ind lr, $3  }
0x3a: {  	_ = 	snop  }
0x3b: {  	_ = 	snop  }
0x3c: {  	p2 =	seq.s32 s10, $0x1;
	s10 =	sld [smem:$0x3FB3]  }
0x3d: {  	_ =	shalt  }
0x3e: {  	_ =	shalt  }
0x3f: {  	_ =	shalt  }
0x40: {  	_ =	shalt  }
0x41: {  	_ =	shalt  }
0x42: {  	_ =	shalt  }
0x43: {  	_ =	shalt  }
0x44: {  	_ =	shalt  }
0x45: {  	_ =	shalt  }
0x46: {  	_ =	shalt  }
0x47: {  	_ =	shalt  }
0x48: {  	_ =	shalt  }
0x49: {  	_ =	shalt  }
0x4a: {  	_ =	shalt  }
0x4b: {  	_ =	shalt  }
0x4c: {  	_ =	shalt  }
0x4d: {  	_ =	shalt  }
0x4e: {  	_ =	shalt  }
0x4f: {  	_ =	shalt  }
0x50: {  	_ =	shalt  }
0x51: {  	_ =	shalt  }
0x52: {  	_ =	shalt  }
0x53: {  	_ =	shalt  }
0x54: {  	_ =	shalt  }
0x55: {  	_ =	shalt  }
0x56: {  	_ =	shalt  }
0x57: {  	_ =	shalt  }
0x58: {  	_ =	shalt  }
0x59: {  	_ =	shalt  }
0x5a: {  	_ =	shalt  }
0x5b: {  	_ =	shalt  }
0x5c: {  	_ =	shalt  }
0x5d: {  	_ =	shalt  }
0x5e: {  	_ =	shalt  }
0x5f: {  	_ =	shalt  }
0x60: {  	_ =	shalt  }
0x61: {  	_ =	shalt  }
0x62: {  	_ =	shalt  }
0x63: {  	_ =	shalt  }
0x64: {  	_ =	shalt  }
0x65: {  	_ =	shalt  }
0x66: {  	_ =	shalt  }
0x67: {  	_ =	shalt  }
0x68: {  	_ =	shalt  }
0x69: {  	_ =	shalt  }
0x6a: {  	_ =	shalt  }
0x6b: {  	_ =	shalt  }
0x6c: {  	_ =	shalt  }
0x6d: {  	_ =	shalt  }
0x6e: {  	_ =	shalt  }
0x6f: {  	_ =	shalt  }
0x70: {  	_ =	shalt  }
0x71: {  	_ =	shalt  }
0x72: {  	_ =	shalt  }
0x73: {  	_ =	shalt  }
0x74: {  	_ =	shalt  }
0x75: {  	_ =	shalt  }
0x76: {  	_ =	shalt  }
0x77: {  	_ =	shalt  }
0x78: {  	_ =	shalt  }
0x79: {  	_ =	shalt  }
0x7a: {  	_ =	shalt  }
0x7b: {  	_ =	shalt  }
0x7c: {  	_ =	shalt  }
0x7d: {  	_ =	shalt  }
0x7e: {  	_ =	shalt  }
0x7f: {  	_ =	shalt  }
0x80: {  	_ =	shalt  }
0x81: {  	_ =	shalt  }
0x82: {  	_ =	shalt  }
0x83: {  	_ =	shalt  }
0x84: {  	_ =	shalt  }
0x85: {  	_ =	shalt  }
0x86: {  	_ =	shalt  }
0x87: {  	_ =	shalt  }
.Lfunc_end0:
.L_simem_size_0:
called_computation.2_lowered:
.L_overlay_start_0:
0x88: {  	s2 =	sld [smem:$0x3FD9]  }
0x89: {  	s3 =	sld [smem:$0x3FFE];
	_ =	sdelay $0x1  }
0x8a: {  	s1 =	srdreg.scid  }
0x8b: {  	s0 =	sand.u32 $0x1, s1  }
0x8c: {  	s14 =	sshll.u32 s0, $0xA;
	s2 =	sadd.s32 s3, s2  }
0x8d: {  	s2 =	sadd.s32 s2, s14  }
0x8e: {  	[smem:$0x3FBF] =	sst s2  }
0x8f: {  	_ = 	snop  }
0x90: {  	s2 =	sld [smem:$0x3FD0];
	_ =	sdelay $0x2  }
0x91: {  	s15 =	simm.s32 $0xD;
	s4 =	simm.s32 $0x10  }
0x92: {  	[smem:s4], [sflag:s15] =	dma.local [hbm:s2], $0x1  }
0x93: {  	_ =	swait.eq [sflag:s15], $0x1  }
0x94: {  	[sflag:s15] =	ssyncset.done $0x0  }
0x95: {  	s16 =	sld [smem:$0x14];
	[sflag:s15] =	ssyncadd.s32 $0xFFFFFFFF  }
0x96: {  	s17 =	sld [smem:$0x15];
	(tm) =	ssettm $0x1  }
0x97: {  	s18 =	sld [smem:$0x3FFB];
	_ =	sdelay $0x3  }
0x98: {  	_ =	strace s18  }
0x99: {  	s4 =	sld [smem:$0x3FFC];
	_ =	sdelay $0x3  }
0x9a: {  	_ =	strace s4  }
0x9b: {  	s4 =	sld [smem:$0x3FFD];
	_ =	sdelay $0x3  }
0x9c: {  	_ =	strace s4  }
0x9d: {  	_ =	strace $0x8FFFFFFF  }
0x9e: {  	s19 =	sld [smem:$0x3FDB];
	_ =	sdelay $0x1  }
0x9f: {  	s5 =	simm.s32 $_scs_section_size  }
0xa0: {  	s6 =	simm.s32 $_size__tile_overlayer_lowered;
	s7 =	simm.s32 $_tile_overlayer_lowered  }
0xa1: {  	s22 =	simm.s32 $0x1BFF;
	s21 =	sshll.u32 s7, $0x1;
	s4 =	sadd.s32 s5, s19  }
0xa2: {  	s8 =	simm.s32 $0x0;
	s20 =	sshll.u32 s6, $0x1;
	s6 =	sadd.s32 s21, s4  }
0xa3: {  	[timem:s8], [sflag:s22] =	dma.local [hbm:s6], s20  }
0xa4: {  	_ =	swait.ge [sflag:s22], s20  }
0xa5: {  	s5 =	ssub.s32 $0x0, s20;
	[sflag:s22] =	ssyncset.done $0x0  }
0xa6: {  	[sflag:s22] =	ssyncadd.s32 s5;
	_ =	sdelay $0x1  }
0xa7: {  	s23 =	simm.s32 $0x1B8B  }
0xa8: {  	_ =	swait.ge [sflag:s23], $0x1  }
0xa9: {  	[sflag:s23] =	ssyncset.done $0x0  }
0xaa: {  	s25 =	simm.s32 $0x1B8E;
	s24 =	sld [smem:$0x3FFE];
	[sflag:s23] =	ssyncadd.s32 $0xFFFFFFFF  }
0xab: {  	s26 =	simm.s32 $execute0_lowered;
	[smem:$0x3FD2] =	sst s25  }
0xac: {  	s6 =	sshll.u32 s26, $0x1;
	_ =	strace $0x80000052;
	[dreg:$0x1] =	wrdreg $0xFFFFFFFF  }
0xad: {  	s28 =	simm.s32 $_size_execute0_lowered;
	s4 =	sadd.s32 s4, s6;
	[dreg:$0x0] =	wrdreg $0x0  }
0xae: {  	s6 =	sshll.u32 s28, $0x1;
	[dreg:$0x2] =	wrdreg s4  }
0xaf: {  	[dreg:$0x3] =	wrdreg s6  }
0xb0: {  	[dreg:$0x4] =	wrdreg $0xC0  }
0xb1: {  	_ =	task [dreg:s8], $0x5FFFF  }
0xb2: {  	[dreg:$0x1] =	wrdreg $0xFFFFFFFF  }
0xb3: {  	[dreg:$0x0] =	wrdreg $0x60  }
0xb4: {  	[dreg:$0x2] =	wrdreg s24  }
0xb5: {  	[dreg:$0x3] =	wrdreg s17  }
0xb6: {  	[dreg:$0x4] =	wrdreg s16  }
0xb7: {  	[dreg:$0x5] =	wrdreg $0x9  }
0xb8: {  	_ =	task.clear_ibuf [dreg:s8], $0x6FFFF;
	_ =	strace $0x90000052  }
0xb9: {  	s29 =	simm.s32 $0x9;
	_ =	strace $0x80000054  }
0xba: {  	_ =	swait.ge [sflag:s29], $0x1  }
0xbb: {  	[sflag:s29] =	ssyncadd.s32 $0xFFFFFFFF  }
0xbc: {  	_ =	strace $0x90000054  }
0xbd: {  	_ =	sfence  }
0xbe: {  	s30 =	sld [smem:$0x0];
	_ =	sdelay $0x2  }
0xbf: {  	s31 =	sshll.u32 s1, $0xD;
	s1 =	sshrl.u32 s1, $0x2  }
0xc0: {  	s3 =	sand.u32 $0x4000, s31;
	s1 =	sadd.s32 s1, s30  }
0xc1: {  	s0 =	sor.u32 s3, s0;
	s1 =	sshll.u32 s1, $0x11  }
0xc2: {  	s0 =	sor.u32 s1, s0  }
0xc3: {  	s0 =	sadd.s32 $0x8F2B, s0  }
0xc4: {  	[sflag:s0] =	ssyncadd.remote.s32 $0x1  }
0xc5: {  	_ =	sfence.sel $0xFFFF  }
0xc6: {  	[dreg:$0x0] =	wrdreg $0xFFFFFFFF;
	(pc) =	sbr.abs _section_cstart, $3  }
0xc7: {  	[dreg:$0x1] =	wrdreg $0xFFFFFFFF  }
0xc8: {  	_ =	task.clear_ibuf [dreg:s8], $0x2FFFF;
	_ =	strace $0x9FFFFFFF  }
0xc9: {  	(tm) =	ssettm $0x7FFFFFFF  }
tec
execute0_lowered:
.L_overlay_start_1:
0x0: {  	(tag) =	ssettag $0x1  }
0x1: {  	s0 =	rddreg [dreg:$0x0]  }
0x2: {  	s5 =	rddreg [dreg:$0x1]  }
0x3: {  	s6 =	rddreg [dreg:$0x2];
	s2 =	simm.s32 $0x0  }
0x4: {  	s11 =	simm.s32 $0x1000;
	[smem:$0x7FF] =	sst s2  }
0x5: {  	s7 =	simm.s32 $0x1400;
	_ =	strace $0x80000053;
	[dreg:$0x6] =	wrdreg s11  }
0x6: {  	s10 =	stileid.u32;
	s12 =	simm.s32 $0x1C00;
	[dreg:$0x7] =	wrdreg s7  }
0x7: {  	s1 =	srdreg.scid;
	s13 =	simm.s32 $0x2000;
	[dreg:$0x8] =	wrdreg s12  }
0x8: {  	s14 =	simm.s32 $0x2800;
	s15 =	simm.s32 $0x2C00;
	[dreg:$0x9] =	wrdreg s13  }
0x9: {  	s17 =	simm.s32 $0x3400;
	s18 =	simm.s32 $0x3800;
	[dreg:$0xa] =	wrdreg s14  }
0xa: {  	s19 =	simm.s32 $0x4000;
	s20 =	simm.s32 $0x4400;
	[dreg:$0xb] =	wrdreg s15  }
0xb: {  	s21 =	simm.s32 $0x4C00;
	s22 =	simm.s32 $0x5000;
	[dreg:$0xc] =	wrdreg s17  }
0xc: {  	s23 =	simm.s32 $0x5800;
	s24 =	simm.s32 $0x5C00;
	[dreg:$0xd] =	wrdreg s18  }
0xd: {  	s25 =	simm.s32 $0x6400;
	s26 =	simm.s32 $0x7000;
	[dreg:$0xe] =	wrdreg s19  }
0xe: {  	s31 =	simm.s32 $0x7400;
	s28 =	simm.s32 $0x1;
	[dreg:$0xf] =	wrdreg s20  }
0xf: {  	s29 =	simm.s32 $0x2;
	s30 =	simm.s32 $0x0;
	[dreg:$0x10] =	wrdreg s21  }
0x10: {  	s3 =	smul.u32 $0xC000, s10;
	s1 =	sand.u32 $0x1, s1;
	[dreg:$0x11] =	wrdreg s22  }
0x11: {  	s16 =	sshll.u32 s10, $0x8;
	s10 =	simm.s32 $0x3;
	[dreg:$0x12] =	wrdreg s23  }
0x12: {  	s4 =	smul.u32 $0x6000, s1;
	s8 =	ssub.s32 $0x2, s1;
	[dreg:$0x13] =	wrdreg s24  }
0x13: {  	s1 =	sshll.u32 s1, $0x7;
	s7 =	sadd.s32 $0x145700, s0;
	[dreg:$0x14] =	wrdreg s25  }
0x14: {  	s12 =	simm.s32 $0x800;
	[dreg:$0x15] =	wrdreg s26;
	s13 =	simm.s32 $0x6800  }
0x15: {  	[dreg:$0x16] =	wrdreg s31;
	s14 =	simm.s32 $0x7C00;
	s15 =	simm.s32 $0x8000  }
0x16: {  	s17 =	simm.s32 $0x8C00;
	s18 =	simm.s32 $0x9400;
	s19 =	simm.s32 $0x9800  }
0x17: {  	s20 =	simm.s32 $0xA000;
	s21 =	simm.s32 $0xA400;
	s22 =	simm.s32 $0xAC00  }
0x18: {  	s23 =	simm.s32 $0xB000;
	s24 =	simm.s32 $0xB800;
	s25 =	simm.s32 $0xBC00  }
0x19: {  	s26 =	simm.s32 $0xC400;
	s3 =	sadd.s32 s3, s0;
	s9 =	sshrl.u32 s8, $0x1  }
0x1a: {  	s1 =	sor.u32 s1, s16;
	s16 =	simm.s32 $0x8800;
	s3 =	sadd.s32 s4, s3  }
0x1b: {  	s9 =	ssub.s32 s8, s9;
	s5 =	sadd.s32 s5, s1;
	s6 =	sadd.s32 s6, s1  }
0x1c: {  	v2 =	vlaneseq.u32;
	s8 =	sadd.s32 $0x85500, s0;
	s4 =	sadd.s32 $0x205800, s3;
	[dreg:$0x17] =	wrdreg s5  }
0x1d: {  	vm0 =	vmmov $0xffff;
	vm1 =	vmmov $0xff;
	v1 =	vshrl.u32 v2, $0x3;
	s3 =	sadd.s32 $0x2C5800, s3;
	s9 =	smax.u32 s9, $0x1;
	[dreg:$0x4] =	wrdreg s4  }
0x1e: {  	v0 =	vand.u32 $0x7, v2;
	v2 =	vor.u32 $0x8, v2;
	v1 =	vmul.u32 $0x8, v1;
	[dreg:$0x5] =	wrdreg s3;
	s3 =	sadd.s32 $0x145600, s0;
	s4 =	sadd.s32 $0x85400, s0  }
.LBB2_1:
0x1f: {  	s0 =	rddreg [dreg:$0x17]  }
0x20: {  	[tilespmem:s2], [sflag:$0x3] =	stream.linear.gather [hbm4b:s0+s2], $0x400, $0x38;
	[tilespmem:$0xC800] =	vst v63  }
0x21: {  	_ =	swait.ge [sflag:s10], $0x400  }
0x22: {  	[sflag:s10] =	ssyncset.done $0x0  }
0x23: {  	s11 =	simm.s32 $0x400;
	[sflag:s10] =	ssyncadd.s32 $0xFFFFFC00  }
0x24: {  	[tilespmem:s11], [sflag:$0x3] =	stream.linear.gather [hbm4b:s6+s2], $0x400, $0x38;
	[tilespmem:$0xC800] =	vst v63  }
0x25: {  	_ =	swait.ge [sflag:s10], $0x400  }
0x26: {  	s31 =	simm.s32 $0x420;
	[sflag:s10] =	ssyncset.done $0x0  }
0x27: {  	s1 =	simm.s32 $0x20;
	s0 =	simm.s32 $0x0;
	[sflag:s10] =	ssyncadd.s32 $0xFFFFFC00  }
.LBB2_2:
0x28: {  	v3 =	vld [tilespmem:s1+$0xFFFFFFE0];
	_ =	sdelay $0x4  }
0x29: {  	v4 =	vshrl.u32 v3, $0x3  }
0x2a: {  	v4 =	vmul.u32 $0x18, v4  }
0x2b: {  	v3 =	vand.u32 $0x7, v3  }
0x2c: {  	v3 =	vor.u32 v3, v4  }
0x2d: {  	v4 =	vperm.xlane v3, v0;
	_ =	sdelay $0x1  }
0x2e: {  	v4 =	vadd.s32 v1, v4;
	_ =	sdelay $0x1  }
0x2f: {  	v3 =	vperm.xlane v3, v2;
	_ =	sdelay $0x1  }
0x30: {  	v3 =	vadd.s32 v1, v3  }
0x31: {  	[tilespmem:s12], [sflag:$0x1] =	stream.indirect_vreg.gather [hbm4b:s3+s2], $0x80, v4, vm0, $0xb8;
	[tilespmem:$0xC800] =	vst v63  }
0x32: {  	s11 =	rddreg [dreg:$0x6]  }
0x33: {  	[tilespmem:s11], [sflag:$0x1] =	stream.indirect_vreg.gather [hbm4b:s7+s2], $0x80, v4, vm1, $0xb8;
	[tilespmem:$0xC800] =	vst v63  }
0x34: {  	s5 =	rddreg [dreg:$0x7]  }
0x35: {  	[tilespmem:s5], [sflag:$0x1] =	stream.indirect_vreg.gather [hbm4b:s3+s2], $0x80, v3, vm0, $0xb8;
	[tilespmem:$0xC800] =	vst v63  }
0x36: {  	s11 =	rddreg [dreg:$0x8]  }
0x37: {  	[tilespmem:s11], [sflag:$0x1] =	stream.indirect_vreg.gather [hbm4b:s7+s2], $0x80, v3, vm1, $0xb8;
	[tilespmem:$0xC800] =	vst v63  }
0x38: {  	v3 =	vld [tilespmem:s1+$0xFFFFFFF0];
	_ =	sdelay $0x4  }
0x39: {  	v57 =	vshrl.u32 v3, $0x3  }
0x3a: {  	v4 =	vmul.u32 $0x18, v57  }
0x3b: {  	v3 =	vand.u32 $0x7, v3  }
0x3c: {  	v3 =	vor.u32 v3, v4  }
0x3d: {  	v4 =	vperm.xlane v3, v0;
	_ =	sdelay $0x1  }
0x3e: {  	v4 =	vadd.s32 v1, v4;
	_ =	sdelay $0x1  }
0x3f: {  	v3 =	vperm.xlane v3, v2;
	_ =	sdelay $0x1  }
0x40: {  	s5 =	rddreg [dreg:$0x9];
	v3 =	vadd.s32 v1, v3  }
0x41: {  	[tilespmem:s5], [sflag:$0x1] =	stream.indirect_vreg.gather [hbm4b:s3+s2], $0x80, v4, vm0, $0xb8;
	[tilespmem:$0xC800] =	vst v63  }
0x42: {  	s11 =	rddreg [dreg:$0xa]  }
0x43: {  	[tilespmem:s11], [sflag:$0x1] =	stream.indirect_vreg.gather [hbm4b:s7+s2], $0x80, v4, vm1, $0xb8;
	[tilespmem:$0xC800] =	vst v63  }
0x44: {  	s5 =	rddreg [dreg:$0xb]  }
0x45: {  	[tilespmem:s5], [sflag:$0x1] =	stream.indirect_vreg.gather [hbm4b:s3+s2], $0x80, v3, vm0, $0xb8;
	[tilespmem:$0xC800] =	vst v63  }
0x46: {  	s11 =	rddreg [dreg:$0xc]  }
0x47: {  	[tilespmem:s11], [sflag:$0x1] =	stream.indirect_vreg.gather [hbm4b:s7+s2], $0x80, v3, vm1, $0xb8;
	[tilespmem:$0xC800] =	vst v63  }
0x48: {  	v3 =	vld [tilespmem:s1+$0x0];
	_ =	sdelay $0x4  }
0x49: {  	v58 =	vshrl.u32 v3, $0x3  }
0x4a: {  	v4 =	vmul.u32 $0x18, v58  }
0x4b: {  	v3 =	vand.u32 $0x7, v3  }
0x4c: {  	v3 =	vor.u32 v3, v4  }
0x4d: {  	v4 =	vperm.xlane v3, v0;
	_ =	sdelay $0x1  }
0x4e: {  	v4 =	vadd.s32 v1, v4;
	_ =	sdelay $0x1  }
0x4f: {  	v3 =	vperm.xlane v3, v2;
	_ =	sdelay $0x1  }
0x50: {  	s5 =	rddreg [dreg:$0xd];
	v3 =	vadd.s32 v1, v3  }
0x51: {  	[tilespmem:s5], [sflag:$0x1] =	stream.indirect_vreg.gather [hbm4b:s3+s2], $0x80, v4, vm0, $0xb8;
	[tilespmem:$0xC800] =	vst v63  }
0x52: {  	s11 =	rddreg [dreg:$0xe]  }
0x53: {  	[tilespmem:s11], [sflag:$0x1] =	stream.indirect_vreg.gather [hbm4b:s7+s2], $0x80, v4, vm1, $0xb8;
	[tilespmem:$0xC800] =	vst v63  }
0x54: {  	s5 =	rddreg [dreg:$0xf]  }
0x55: {  	[tilespmem:s5], [sflag:$0x1] =	stream.indirect_vreg.gather [hbm4b:s3+s2], $0x80, v3, vm0, $0xb8;
	[tilespmem:$0xC800] =	vst v63  }
0x56: {  	s11 =	rddreg [dreg:$0x10]  }
0x57: {  	[tilespmem:s11], [sflag:$0x1] =	stream.indirect_vreg.gather [hbm4b:s7+s2], $0x80, v3, vm1, $0xb8;
	[tilespmem:$0xC800] =	vst v63  }
0x58: {  	v3 =	vld [tilespmem:s1+$0x10];
	_ =	sdelay $0x4  }
0x59: {  	v59 =	vshrl.u32 v3, $0x3  }
0x5a: {  	v4 =	vmul.u32 $0x18, v59  }
0x5b: {  	v3 =	vand.u32 $0x7, v3  }
0x5c: {  	v3 =	vor.u32 v3, v4  }
0x5d: {  	v4 =	vperm.xlane v3, v0;
	_ =	sdelay $0x1  }
0x5e: {  	v4 =	vadd.s32 v1, v4;
	_ =	sdelay $0x1  }
0x5f: {  	v3 =	vperm.xlane v3, v2;
	_ =	sdelay $0x1  }
0x60: {  	s5 =	rddreg [dreg:$0x11];
	v3 =	vadd.s32 v1, v3  }
0x61: {  	[tilespmem:s5], [sflag:$0x1] =	stream.indirect_vreg.gather [hbm4b:s3+s2], $0x80, v4, vm0, $0xb8;
	[tilespmem:$0xC800] =	vst v63  }
0x62: {  	s11 =	rddreg [dreg:$0x12]  }
0x63: {  	[tilespmem:s11], [sflag:$0x1] =	stream.indirect_vreg.gather [hbm4b:s7+s2], $0x80, v4, vm1, $0xb8;
	[tilespmem:$0xC800] =	vst v63  }
0x64: {  	s5 =	rddreg [dreg:$0x13]  }
0x65: {  	[tilespmem:s5], [sflag:$0x1] =	stream.indirect_vreg.gather [hbm4b:s3+s2], $0x80, v3, vm0, $0xb8;
	[tilespmem:$0xC800] =	vst v63  }
0x66: {  	s11 =	rddreg [dreg:$0x14]  }
0x67: {  	[tilespmem:s11], [sflag:$0x1] =	stream.indirect_vreg.gather [hbm4b:s7+s2], $0x80, v3, vm1, $0xb8;
	[tilespmem:$0xC800] =	vst v63  }
0x68: {  	v3 =	vld [tilespmem:s31+$0xFFFFFFE0];
	_ =	sdelay $0x4  }
0x69: {  	v60 =	vshrl.u32 v3, $0x3  }
0x6a: {  	v4 =	vmul.u32 $0x18, v60  }
0x6b: {  	v3 =	vand.u32 $0x7, v3  }
0x6c: {  	v3 =	vor.u32 v3, v4  }
0x6d: {  	v4 =	vperm.xlane v3, v0;
	_ =	sdelay $0x1  }
0x6e: {  	v4 =	vadd.s32 v1, v4;
	_ =	sdelay $0x1  }
0x6f: {  	v3 =	vperm.xlane v3, v2;
	_ =	sdelay $0x1  }
0x70: {  	v3 =	vadd.s32 v1, v3  }
0x71: {  	[tilespmem:s13], [sflag:$0x2] =	stream.indirect_vreg.gather [hbm4b:s4+s2], $0x80, v4, vm0, $0xb8;
	[tilespmem:$0xC800] =	vst v63  }
0x72: {  	s5 =	rddreg [dreg:$0x15]  }
0x73: {  	[tilespmem:s5], [sflag:$0x2] =	stream.indirect_vreg.gather [hbm4b:s8+s2], $0x80, v4, vm1, $0xb8;
	[tilespmem:$0xC800] =	vst v63  }
0x74: {  	s11 =	rddreg [dreg:$0x16]  }
0x75: {  	[tilespmem:s11], [sflag:$0x2] =	stream.indirect_vreg.gather [hbm4b:s4+s2], $0x80, v3, vm0, $0xb8;
	[tilespmem:$0xC800] =	vst v63  }
0x76: {  	_ = 	snop  }
0x77: {  	[tilespmem:s14], [sflag:$0x2] =	stream.indirect_vreg.gather [hbm4b:s8+s2], $0x80, v3, vm1, $0xb8;
	[tilespmem:$0xC800] =	vst v63  }
0x78: {  	v3 =	vld [tilespmem:s31+$0xFFFFFFF0];
	_ =	sdelay $0x4  }
0x79: {  	v61 =	vshrl.u32 v3, $0x3  }
0x7a: {  	v4 =	vmul.u32 $0x18, v61  }
0x7b: {  	v3 =	vand.u32 $0x7, v3  }
0x7c: {  	v3 =	vor.u32 v3, v4  }
0x7d: {  	v4 =	vperm.xlane v3, v0;
	_ =	sdelay $0x1  }
0x7e: {  	v4 =	vadd.s32 v1, v4;
	_ =	sdelay $0x1  }
0x7f: {  	v3 =	vperm.xlane v3, v2;
	_ =	sdelay $0x1  }
0x80: {  	v3 =	vadd.s32 v1, v3  }
0x81: {  	[tilespmem:s15], [sflag:$0x2] =	stream.indirect_vreg.gather [hbm4b:s4+s2], $0x80, v4, vm0, $0xb8;
	[tilespmem:$0xC800] =	vst v63  }
0x82: {  	_ = 	snop  }
0x83: {  	[tilespmem:s16], [sflag:$0x2] =	stream.indirect_vreg.gather [hbm4b:s8+s2], $0x80, v4, vm1, $0xb8;
	[tilespmem:$0xC800] =	vst v63  }
0x84: {  	_ = 	snop  }
0x85: {  	[tilespmem:s17], [sflag:$0x2] =	stream.indirect_vreg.gather [hbm4b:s4+s2], $0x80, v3, vm0, $0xb8;
	[tilespmem:$0xC800] =	vst v63  }
0x86: {  	_ = 	snop  }
0x87: {  	[tilespmem:s18], [sflag:$0x2] =	stream.indirect_vreg.gather [hbm4b:s8+s2], $0x80, v3, vm1, $0xb8;
	[tilespmem:$0xC800] =	vst v63  }
0x88: {  	v3 =	vld [tilespmem:s31+$0x0];
	_ =	sdelay $0x4  }
0x89: {  	v62 =	vshrl.u32 v3, $0x3  }
0x8a: {  	v4 =	vmul.u32 $0x18, v62  }
0x8b: {  	v3 =	vand.u32 $0x7, v3  }
0x8c: {  	v3 =	vor.u32 v3, v4  }
0x8d: {  	v4 =	vperm.xlane v3, v0;
	_ =	sdelay $0x1  }
0x8e: {  	v4 =	vadd.s32 v1, v4;
	_ =	sdelay $0x1  }
0x8f: {  	v3 =	vperm.xlane v3, v2;
	_ =	sdelay $0x1  }
0x90: {  	v3 =	vadd.s32 v1, v3  }
0x91: {  	[tilespmem:s19], [sflag:$0x2] =	stream.indirect_vreg.gather [hbm4b:s4+s2], $0x80, v4, vm0, $0xb8;
	[tilespmem:$0xC800] =	vst v63  }
0x92: {  	_ = 	snop  }
0x93: {  	[tilespmem:s20], [sflag:$0x2] =	stream.indirect_vreg.gather [hbm4b:s8+s2], $0x80, v4, vm1, $0xb8;
	[tilespmem:$0xC800] =	vst v63  }
0x94: {  	_ = 	snop  }
0x95: {  	[tilespmem:s21], [sflag:$0x2] =	stream.indirect_vreg.gather [hbm4b:s4+s2], $0x80, v3, vm0, $0xb8;
	[tilespmem:$0xC800] =	vst v63  }
0x96: {  	_ = 	snop  }
0x97: {  	[tilespmem:s22], [sflag:$0x2] =	stream.indirect_vreg.gather [hbm4b:s8+s2], $0x80, v3, vm1, $0xb8;
	[tilespmem:$0xC800] =	vst v63  }
0x98: {  	v3 =	vld [tilespmem:s31+$0x10];
	_ =	sdelay $0x4  }
0x99: {  	v63 =	vshrl.u32 v3, $0x3  }
0x9a: {  	v4 =	vmul.u32 $0x18, v63  }
0x9b: {  	v3 =	vand.u32 $0x7, v3  }
0x9c: {  	v3 =	vor.u32 v3, v4  }
0x9d: {  	v4 =	vperm.xlane v3, v0;
	_ =	sdelay $0x1  }
0x9e: {  	v4 =	vadd.s32 v1, v4;
	_ =	sdelay $0x1  }
0x9f: {  	v3 =	vperm.xlane v3, v2;
	_ =	sdelay $0x1  }
0xa0: {  	v3 =	vadd.s32 v1, v3  }
0xa1: {  	[tilespmem:s23], [sflag:$0x2] =	stream.indirect_vreg.gather [hbm4b:s4+s2], $0x80, v4, vm0, $0xb8;
	[tilespmem:$0xC800] =	vst v63  }
0xa2: {  	_ = 	snop  }
0xa3: {  	[tilespmem:s24], [sflag:$0x2] =	stream.indirect_vreg.gather [hbm4b:s8+s2], $0x80, v4, vm1, $0xb8;
	[tilespmem:$0xC800] =	vst v63  }
0xa4: {  	_ = 	snop  }
0xa5: {  	[tilespmem:s25], [sflag:$0x2] =	stream.indirect_vreg.gather [hbm4b:s4+s2], $0x80, v3, vm0, $0xb8;
	[tilespmem:$0xC800] =	vst v63  }
0xa6: {  	_ = 	snop  }
0xa7: {  	[tilespmem:s26], [sflag:$0x2] =	stream.indirect_vreg.gather [hbm4b:s8+s2], $0x80, v3, vm1, $0xb8;
	[tilespmem:$0xC800] =	vst v63  }
0xa8: {  	_ =	swait.ge [sflag:s28], $0x6000  }
0xa9: {  	s11 =	rddreg [dreg:$0x4];
	[sflag:s28] =	ssyncset.done $0x0  }
0xaa: {  	[sflag:s28] =	ssyncadd.s32 $0xFFFFA000;
	s5 =	sadd.s32 s0, s11  }
0xab: {  	[hbm4b:s5+s2] =	stream.linear.scatter [tilespmem:s12], [sflag:$0x3], $0x6000, $0x38;
	[tilespmem:$0xC800] =	vst v63  }
0xac: {  	_ =	swait.ge [sflag:s10], $0x6000  }
0xad: {  	[sflag:s10] =	ssyncset.done $0x0  }
0xae: {  	[sflag:s10] =	ssyncadd.s32 $0xFFFFA000  }
0xaf: {  	_ =	swait.ge [sflag:s29], $0x6000  }
0xb0: {  	p0 =	sne.s32 s0, $0x5400;
	s11 =	rddreg [dreg:$0x5];
	[sflag:s29] =	ssyncset.done $0x0  }
.Ltmp0:
0xb1: {  	[sflag:s29] =	ssyncadd.s32 $0xFFFFA000;
	s5 =	sadd.s32 s0, s11;
	(pc) =	sbr.rel @p0 .LBB2_2-.Ltmp0, $4  }
0xb2: {  	[hbm4b:s5+s2] =	stream.linear.scatter [tilespmem:s13], [sflag:$0x3], $0x6000, $0x38;
	[tilespmem:$0xC800] =	vst v63  }
0xb3: {  	_ =	swait.ge [sflag:s10], $0x6000  }
0xb4: {  	s1 =	sadd.s32 $0x80, s1;
	[sflag:s10] =	ssyncset.done $0x0  }
0xb5: {  	s31 =	sadd.s32 $0x80, s31;
	s0 =	sadd.s32 $0xC00, s0;
	[sflag:s10] =	ssyncadd.s32 $0xFFFFA000  }
0xb6: {  	s30 =	sadd.s32 $0x1, s30  }
0xb7: {  	p0 =	sne.s32 s30, s9  }
.Ltmp1:
0xb8: {  	_ = 	snop;
	(pc) =	sbr.rel @p0 .LBB2_1-.Ltmp1, $1  }
0xb9: {  	_ =	sdelay $0x3  }
0xba: {  	_ =	sfence.sel $0x180000  }
0xbb: {  	[bflag:$0x0] =	sbarrier.arrive $0xFFFF  }
0xbc: {  	_ =	strace $0x90000053  }
0xbd: {  	s0 =	stileid.u32;
	[bflag:$0x2] =	sbarrier.arrive $0xFFFF  }
0xbe: {  	p0 =	sne.s32 s0, $0x0;
	s0 =	rddreg [dreg:$0x3]  }
0xbf: {  	s0 =	sadd.s32 @!p0 $0x100000, s0  }
0xc0: {  	[sflag:s0] =	ssyncadd.tile.s32 @!p0 $0x1;
	_ =	shalt  }
.Lfunc_end2:
_tile_overlayer_lowered:
.L_overlay_start_2:
0xc1: {  	(tag) =	ssettag $0x2  }
0xc2: {  	s0 =	rddreg [dreg:$0x0];
	s2 =	stileid.u32  }
0xc3: {  	s1 =	rddreg [dreg:$0x1];
	p0 =	sne.s32 s2, $0x0  }
0xc4: {  	s3 =	rddreg [dreg:$0x2];
	[bflag:$0x3] =	sbarrier.arrive $0xFFFF;
	s2 =	simm.s32 @!p0 $0x1C03  }
0xc5: {  	[timem:s3], [sflag:s2] =	dma.local @!p0 [hbm:s0], s1  }
0xc6: {  	s0 =	simm.s32 @!p0 $0x3  }
0xc7: {  	_ =	swait.ge @!p0 [sflag:s0], s1  }
0xc8: {  	s1 =	ssub.s32 @!p0 $0x0, s1;
	[sflag:s0] =	ssyncset.done @!p0 $0x0  }
0xc9: {  	[sflag:s0] =	ssyncadd.s32 @!p0 s1  }
0xca: {  	[bflag:$0x3] =	sbarrier.arrive $0xFFFF  }
0xcb: {  	_ =	shalt  }

// kernel: scatter_offload_async_start.1
scs
__scs_entry_jumppad:
0x0: {  	(pc) =	sbr.rel $0x88, $3  }
0x1: {  	(tag) =	ssettag $0x0;
	lr =	simm.s32 $0x1  }
0x2: {  	[smem:$0x3F98] =	sst lr;
	_ =	strace $0xD0000000  }
0x3: {  	_ = 	snop  }
0x4: {  	_ = 	snop  }
0x5: {  	_ = 	snop  }
0x6: {  	_ = 	snop  }
0x7: {  	_ = 	snop  }
__scs_overlays_trampoline_lowered:
0x8: {  	[smem:$0x3FA7] =	sst s0  }
0x9: {  	[smem:$0x3FA8] =	sst s1  }
0xa: {  	[smem:$0x3FA9] =	sst s2  }
0xb: {  	[smem:$0x3FAA] =	sst s3  }
0xc: {  	[smem:$0x3FAB] =	sst s4  }
0xd: {  	[smem:$0x3FAC] =	sst s5  }
0xe: {  	[smem:$0x3FAD] =	sst s6  }
0xf: {  	[smem:$0x3FAE] =	sst s7  }
0x10: {  	[smem:$0x3FAF] =	sst s8  }
0x11: {  	[smem:$0x3FB0] =	sst s9;
	s0 =	simm.s32 @!p0 $0x0  }
0x12: {  	s1 =	sld [smem:$0x3F96];
	s0 =	simm.s32 @p0 $0x1  }
0x13: {  	[smem:$0x3FB1] =	sst s0;
	s0 =	simm.s32 @!p1 $0x0  }
0x14: {  	s2 =	sld [smem:$0x3F95];
	s0 =	simm.s32 @p1 $0x1  }
0x15: {  	[smem:$0x3FB2] =	sst s0;
	s0 =	simm.s32 @!p2 $0x0  }
0x16: {  	s3 =	sld [smem:$0x3FDB];
	s0 =	simm.s32 @p2 $0x1  }
0x17: {  	s4 =	simm.s32 $0x1BF5;
	[smem:$0x3FB4] =	sst s0  }
0x18: {  	s0 =	sld [smem:$0x3F97];
	_ =	swait.ge [sflag:s4], $0x0  }
0x19: {  	s7 =	sld [smem:$0x3F98]  }
0x1a: {  	s8 =	sadd.s32 $0xFFFFE003, lr  }
0x1b: {  	s9 =	sadd.s32 $0xFFFFFEF7, lr;
	s5 =	simm.s32 $0xFFFFFFFF;
	p2 =	slt.u32 s8, $0xFFFFF086  }
0x1c: {  	p1 =	slt.u32 s9, $0xF7A;
	s5 =	simm.s32 @!p2 $0x0  }
0x1d: {  	s5 =	simm.s32 @p1 $0x1;
	p0 =	seq.s32 s7, s2  }
0x1e: {  	s7 =	smul.u32 @!p0 $0xF7A, s2;
	p2 =	seq.s32 @!p0 s5, $0x0  }
0x1f: {  	s9 =	smul.u32 $0xF7A, s1;
	s8 =	simm.s32 @!p0 $0x1BF5;
	p2 =	por !p2, p0  }
0x20: {  	[sflag:s8] =	ssyncset.s32 @!p0 $0xFFFFF086;
	s6 =	sadd.s32 @!p0 s3, s7;
	s7 =	simm.s32 @!p0 $0x108  }
0x21: {  	s3 =	sadd.s32 s3, s9;
	s6 =	sadd.s32 @!p0 $0x88, s6;
	s7 =	simm.s32 @p2 $0x1082  }
0x22: {  	[simem:s7], [sflag:s8] =	dma.local @!p0 [hbm:s6], $0xF7A  }
0x23: {  	s9 =	sor.u32 $0xD0000000, s2;
	s6 =	simm.s32 $0x108;
	_ =	swait.ge @!p0 [sflag:s8], $0x0  }
0x24: {  	s3 =	sadd.s32 $0x88, s3;
	s6 =	simm.s32 @!p1 $0x1082;
	[sflag:s4] =	ssyncset.s32 $0xFFFFF086  }
0x25: {  	[simem:s6], [sflag:s4] =	dma.local [hbm:s3], $0xF7A  }
0x26: {  	[smem:$0x3F98] =	sst s1;
	(tag) =	ssettag s2;
	_ =	strace s9  }
0x27: {  	s1 =	sld [smem:$0x3FA8]  }
0x28: {  	s2 =	sld [smem:$0x3FA9]  }
0x29: {  	s4 =	sld [smem:$0x3FAB]  }
0x2a: {  	p0 =	seq.s32 s5, $0x0;
	s5 =	sld [smem:$0x3FAC]  }
0x2b: {  	s6 =	sld [smem:$0x3FAD]  }
0x2c: {  	s7 =	sld [smem:$0x3FAE]  }
0x2d: {  	s3 =	simm.s32 $0x108;
	s8 =	sld [smem:$0x3FAF]  }
0x2e: {  	s3 =	simm.s32 @!p0 $0x1082;
	s9 =	sld [smem:$0x3FB0]  }
0x2f: {  	lr =	sadd.s32 s0, s3;
	s0 =	sld [smem:$0x3FA7]  }
0x30: {  	s3 =	sld [smem:$0x3FAA]  }
0x31: {  	[smem:$0x3FB3] =	sst s10  }
0x32: {  	s10 =	sld [smem:$0x3FB1];
	_ =	sdelay $0x3  }
0x33: {  	p0 =	seq.s32 s10, $0x1;
	s10 =	sld [smem:$0x3FB3];
	_ =	sdelay $0x3  }
0x34: {  	[smem:$0x3FB3] =	sst s10  }
0x35: {  	s10 =	sld [smem:$0x3FB2];
	_ =	sdelay $0x3  }
0x36: {  	p1 =	seq.s32 s10, $0x1;
	s10 =	sld [smem:$0x3FB3];
	_ =	sdelay $0x3  }
0x37: {  	[smem:$0x3FB3] =	sst s10  }
0x38: {  	s10 =	sld [smem:$0x3FB4]  }
0x39: {  	_ = 	snop;
	(pc) =	sbr.ind lr, $3  }
0x3a: {  	_ = 	snop  }
0x3b: {  	_ = 	snop  }
0x3c: {  	p2 =	seq.s32 s10, $0x1;
	s10 =	sld [smem:$0x3FB3]  }
0x3d: {  	_ =	shalt  }
0x3e: {  	_ =	shalt  }
0x3f: {  	_ =	shalt  }
0x40: {  	_ =	shalt  }
0x41: {  	_ =	shalt  }
0x42: {  	_ =	shalt  }
0x43: {  	_ =	shalt  }
0x44: {  	_ =	shalt  }
0x45: {  	_ =	shalt  }
0x46: {  	_ =	shalt  }
0x47: {  	_ =	shalt  }
0x48: {  	_ =	shalt  }
0x49: {  	_ =	shalt  }
0x4a: {  	_ =	shalt  }
0x4b: {  	_ =	shalt  }
0x4c: {  	_ =	shalt  }
0x4d: {  	_ =	shalt  }
0x4e: {  	_ =	shalt  }
0x4f: {  	_ =	shalt  }
0x50: {  	_ =	shalt  }
0x51: {  	_ =	shalt  }
0x52: {  	_ =	shalt  }
0x53: {  	_ =	shalt  }
0x54: {  	_ =	shalt  }
0x55: {  	_ =	shalt  }
0x56: {  	_ =	shalt  }
0x57: {  	_ =	shalt  }
0x58: {  	_ =	shalt  }
0x59: {  	_ =	shalt  }
0x5a: {  	_ =	shalt  }
0x5b: {  	_ =	shalt  }
0x5c: {  	_ =	shalt  }
0x5d: {  	_ =	shalt  }
0x5e: {  	_ =	shalt  }
0x5f: {  	_ =	shalt  }
0x60: {  	_ =	shalt  }
0x61: {  	_ =	shalt  }
0x62: {  	_ =	shalt  }
0x63: {  	_ =	shalt  }
0x64: {  	_ =	shalt  }
0x65: {  	_ =	shalt  }
0x66: {  	_ =	shalt  }
0x67: {  	_ =	shalt  }
0x68: {  	_ =	shalt  }
0x69: {  	_ =	shalt  }
0x6a: {  	_ =	shalt  }
0x6b: {  	_ =	shalt  }
0x6c: {  	_ =	shalt  }
0x6d: {  	_ =	shalt  }
0x6e: {  	_ =	shalt  }
0x6f: {  	_ =	shalt  }
0x70: {  	_ =	shalt  }
0x71: {  	_ =	shalt  }
0x72: {  	_ =	shalt  }
0x73: {  	_ =	shalt  }
0x74: {  	_ =	shalt  }
0x75: {  	_ =	shalt  }
0x76: {  	_ =	shalt  }
0x77: {  	_ =	shalt  }
0x78: {  	_ =	shalt  }
0x79: {  	_ =	shalt  }
0x7a: {  	_ =	shalt  }
0x7b: {  	_ =	shalt  }
0x7c: {  	_ =	shalt  }
0x7d: {  	_ =	shalt  }
0x7e: {  	_ =	shalt  }
0x7f: {  	_ =	shalt  }
0x80: {  	_ =	shalt  }
0x81: {  	_ =	shalt  }
0x82: {  	_ =	shalt  }
0x83: {  	_ =	shalt  }
0x84: {  	_ =	shalt  }
0x85: {  	_ =	shalt  }
0x86: {  	_ =	shalt  }
0x87: {  	_ =	shalt  }
.Lfunc_end0:
.L_simem_size_0:
called_computation.1_lowered:
.L_overlay_start_0:
0x88: {  	s0 =	sld [smem:$0x3FD9]  }
0x89: {  	s1 =	sld [smem:$0x3FFE];
	_ =	sdelay $0x3  }
0x8a: {  	s0 =	sadd.s32 s1, s0  }
0x8b: {  	[smem:$0x3FBF] =	sst s0  }
0x8c: {  	_ = 	snop  }
0x8d: {  	s0 =	sld [smem:$0x3FD0];
	_ =	sdelay $0x2  }
0x8e: {  	s2 =	simm.s32 $0xD;
	s12 =	simm.s32 $0x10  }
0x8f: {  	[smem:s12], [sflag:s2] =	dma.local [hbm:s0], $0x1  }
0x90: {  	_ =	swait.eq [sflag:s2], $0x1  }
0x91: {  	[sflag:s2] =	ssyncset.done $0x0  }
0x92: {  	s13 =	sld [smem:$0x14];
	[sflag:s2] =	ssyncadd.s32 $0xFFFFFFFF  }
0x93: {  	s14 =	sld [smem:$0x15];
	(tm) =	ssettm $0x1  }
0x94: {  	s15 =	sld [smem:$0x3FFB];
	_ =	sdelay $0x3  }
0x95: {  	_ =	strace s15  }
0x96: {  	s0 =	sld [smem:$0x3FFC];
	_ =	sdelay $0x3  }
0x97: {  	_ =	strace s0  }
0x98: {  	s0 =	sld [smem:$0x3FFD];
	_ =	sdelay $0x3  }
0x99: {  	_ =	strace s0  }
0x9a: {  	_ =	strace $0x8FFFFFFF  }
0x9b: {  	s16 =	sld [smem:$0x3FDB];
	_ =	sdelay $0x1  }
0x9c: {  	s3 =	simm.s32 $_scs_section_size  }
0x9d: {  	s4 =	simm.s32 $_size__tile_overlayer_lowered;
	s5 =	simm.s32 $_tile_overlayer_lowered  }
0x9e: {  	s6 =	simm.s32 $0x1BFF;
	s17 =	sshll.u32 s5, $0x1;
	s3 =	sadd.s32 s3, s16  }
0x9f: {  	s18 =	simm.s32 $0x0;
	s4 =	sshll.u32 s4, $0x1;
	s5 =	sadd.s32 s17, s3  }
0xa0: {  	[timem:s18], [sflag:s6] =	dma.local [hbm:s5], s4  }
0xa1: {  	_ =	swait.ge [sflag:s6], s4  }
0xa2: {  	s4 =	ssub.s32 $0x0, s4;
	[sflag:s6] =	ssyncset.done $0x0  }
0xa3: {  	[sflag:s6] =	ssyncadd.s32 s4;
	_ =	sdelay $0x1  }
0xa4: {  	s19 =	simm.s32 $0x1B8B  }
0xa5: {  	_ =	swait.ge [sflag:s19], $0x1  }
0xa6: {  	[sflag:s19] =	ssyncset.done $0x0  }
0xa7: {  	s21 =	simm.s32 $0x1B8E;
	s20 =	sld [smem:$0x3FFE];
	[sflag:s19] =	ssyncadd.s32 $0xFFFFFFFF  }
0xa8: {  	s22 =	simm.s32 $execute0_lowered;
	[smem:$0x3FD2] =	sst s21  }
0xa9: {  	s5 =	sshll.u32 s22, $0x1;
	_ =	strace $0x80000046;
	[dreg:$0x1] =	wrdreg $0xFFFFFFFF  }
0xaa: {  	s23 =	simm.s32 $_size_execute0_lowered;
	s5 =	sadd.s32 s3, s5;
	[dreg:$0x0] =	wrdreg $0x0  }
0xab: {  	s6 =	sshll.u32 s23, $0x1;
	[dreg:$0x2] =	wrdreg s5  }
0xac: {  	[dreg:$0x3] =	wrdreg s6  }
0xad: {  	[dreg:$0x4] =	wrdreg $0xC0  }
0xae: {  	s24 =	simm.s32 $execute1_lowered;
	_ =	task [dreg:s18], $0x5FFFF  }
0xaf: {  	s5 =	sshll.u32 s24, $0x1;
	[dreg:$0x1] =	wrdreg $0xFFFFFFFF  }
0xb0: {  	s3 =	sadd.s32 s3, s5;
	[dreg:$0x0] =	wrdreg $0x60  }
0xb1: {  	[dreg:$0x2] =	wrdreg s3  }
0xb2: {  	[dreg:$0x3] =	wrdreg s20  }
0xb3: {  	[dreg:$0x4] =	wrdreg $0xB  }
0xb4: {  	_ =	task.clear_ibuf [dreg:s18], $0x5FFFF;
	_ =	strace $0x90000046  }
0xb5: {  	s25 =	simm.s32 $0xB;
	_ =	strace $0x80000048  }
0xb6: {  	_ =	swait.ge [sflag:s25], $0x1  }
0xb7: {  	[sflag:s25] =	ssyncadd.s32 $0xFFFFFFFF  }
0xb8: {  	_ =	strace $0x90000048  }
0xb9: {  	_ =	strace $0x80000049;
	[dreg:$0x1] =	wrdreg $0xFFFFFFFF  }
0xba: {  	[dreg:$0x0] =	wrdreg $0x2030  }
0xbb: {  	[dreg:$0x2] =	wrdreg s20  }
0xbc: {  	[dreg:$0x3] =	wrdreg s14  }
0xbd: {  	[dreg:$0x4] =	wrdreg s13  }
0xbe: {  	[dreg:$0x5] =	wrdreg $0xC  }
0xbf: {  	_ =	task.clear_ibuf [dreg:s18], $0x6FFFF;
	_ =	strace $0x90000049  }
0xc0: {  	s26 =	simm.s32 $0xC;
	_ =	strace $0x8000004B  }
0xc1: {  	_ =	swait.ge [sflag:s26], $0x1  }
0xc2: {  	[sflag:s26] =	ssyncadd.s32 $0xFFFFFFFF  }
0xc3: {  	_ =	strace $0x9000004B  }
0xc4: {  	_ =	sfence  }
0xc5: {  	s28 =	sld [smem:$0x0];
	_ =	sdelay $0x1  }
0xc6: {  	s29 =	srdreg.scid  }
0xc7: {  	s30 =	sshll.u32 s29, $0xD;
	s31 =	sshrl.u32 s29, $0x2  }
0xc8: {  	s2 =	sand.u32 $0x1, s29;
	s3 =	sand.u32 $0x4000, s30;
	s1 =	sadd.s32 s31, s28  }
0xc9: {  	s2 =	sor.u32 s3, s2;
	s1 =	sshll.u32 s1, $0x11  }
0xca: {  	s1 =	sor.u32 s1, s2  }
0xcb: {  	s1 =	sadd.s32 $0x8F2B, s1  }
0xcc: {  	[sflag:s1] =	ssyncadd.remote.s32 $0x1  }
0xcd: {  	_ =	sfence.sel $0xFFFF  }
0xce: {  	[dreg:$0x0] =	wrdreg $0xFFFFFFFF;
	(pc) =	sbr.abs _section_cstart, $3  }
0xcf: {  	[dreg:$0x1] =	wrdreg $0xFFFFFFFF  }
0xd0: {  	_ =	task.clear_ibuf [dreg:s18], $0x2FFFF;
	_ =	strace $0x9FFFFFFF  }
0xd1: {  	(tm) =	ssettm $0x7FFFFFFF  }
tec
execute0_lowered:
.L_overlay_start_1:
0x0: {  	(tag) =	ssettag $0x1  }
0x1: {  	s2 =	rddreg [dreg:$0x0]  }
0x2: {  	s6 =	rddreg [dreg:$0x1]  }
0x3: {  	s0 =	rddreg [dreg:$0x2];
	s7 =	stileid.u32  }
0x4: {  	[bflag:$0x3] =	sbarrier.arrive $0xFFFF;
	s1 =	simm.s32 $_size_execute1_lowered;
	p0 =	sne.s32 s7, $0x0  }
0x5: {  	s1 =	sshll.u32 s1, $0x1;
	s3 =	simm.s32 @!p0 $0x1C3F;
	s4 =	simm.s32 @!p0 $0x4060  }
0x6: {  	[timem:s4], [sflag:s3] =	dma.local @!p0 [hbm:s2], s1  }
0x7: {  	s4 =	sshll.u32 s7, $0x5  }
0x8: {  	s31 =	ssub.s32 $0x200, s4  }
0x9: {  	s8 =	sand.u32 $0x1E0, s31  }
0xa: {  	p1 =	sne.s32 s8, $0x0;
	s8 =	simm.s32 $0x1  }
0xb: {  	s9 =	sshrl.u32 s31, $0x9;
	s8 =	simm.s32 @!p1 $0x0  }
0xc: {  	s8 =	sadd.s32 s8, s9  }
0xd: {  	s10 =	sadd.s32 $0x1, s8  }
0xe: {  	p1 =	sne.s32 s10, $0x0  }
.Ltmp0:
0xf: {  	s14 =	simm.s32 $0xFFFFFFFF;
	(pc) =	sbr.rel @!p1 .LBB2_1-.Ltmp0, $4  }
0x10: {  	p3 =	por $0x0, $0x0;
	s5 =	sadd.s32 $0x200, s6;
	s2 =	simm.s32 $0x1  }
0x11: {  	s3 =	simm.s32 $0x2;
	s7 =	sshll.u32 s7, $0x2;
	_ =	strace $0x80000047  }
0x12: {  	s7 =	sadd.s32 s7, s6;
	s6 =	simm.s32 $0x1;
	[sflag:s2] =	ssyncpa.u1 $0x0  }
0x13: {  	[sflag:s3] =	ssyncpa.u1 $0x0;
	s9 =	simm.s32 $0x0;
	p2 =	sle.u32 s8, $0x0  }
0x14: {  	s11 =	sxor.u32 @!p2 $0xFFFFFFFF, s9;
	p1 =	sle.u32 s8, $0xFFFFFFFF  }
0x15: {  	s12 =	simm.s32 @!p2 $0x0;
	s11 =	sand.u32 @!p2 $0x20, s11;
	s13 =	simm.s32 @!p1 $0x1  }
0x16: {  	[tilespmem:s11], [sflag:$0x1] =	stream.linear.gather @!p2 [hbm4b:s7+s12], $0x20, $0x38;
	[tilespmem:$0x80] =	vst v63  }
0x17: {  	_ =	swait.ge @!p1 [sflag:s13], $0x20  }
0x18: {  	[sflag:s13] =	ssyncset.done @!p1 $0x0  }
0x19: {  	s12 =	sand.u32 @!p1 $0x20, s9;
	[sflag:s13] =	ssyncadd.s32 @!p1 $0xFFFFFFE0  }
0x1a: {  	p5 =	sne.s32 s10, $0x1;
	v1 =	vld @!p1 [tilespmem:s12+$0x10]  }
.Ltmp1:
0x1b: {  	v0 =	vld @!p1 [tilespmem:s12+$0x0];
	(pc) =	sbr.rel @!p5 .LBB2_4-.Ltmp1, $4  }
0x1c: {  	s15 =	simm.s32 $0x2  }
0x1d: {  	s14 =	simm.s32 $0x0;
	p4 =	por $0x1, $0x1;
	p3 =	por $0x1, $0x1  }
0x1e: {  	s16 =	simm.s32 @!p1 $0x0;
	s9 =	sshrl.u32 @!p1 s4, $0x3;
	p2 =	sle.u32 s8, $0x1  }
0x1f: {  	s11 =	sadd.s32 @!p1 s5, s9;
	s9 =	simm.s32 $0x20;
	s13 =	sor.u32 @!p1 $0x40, s12;
	[tilespmem:s12+$0x50] =	vst @!p1 v1  }
.LBB2_3:
0x20: {  	s17 =	sxor.u32 @!p2 $0xFFFFFFFF, s9;
	[tilespmem:s12+$0x40] =	vst @!p1 v0;
	s12 =	simm.s32 @!p4 $0x2  }
0x21: {  	s18 =	smov.u32 s6;
	s6 =	smov.u32 s15;
	s19 =	sadd.s32 $0x1, s15  }
0x22: {  	[hbm4b:s11+s16] =	stream.linear.scatter @!p1 [tilespmem:s13], [sflag:$0x2], $0x20, $0x38;
	[tilespmem:$0x80] =	vst v63  }
0x23: {  	s13 =	sand.u32 @!p2 $0x20, s17;
	p1 =	sge.u32 s14, s8;
	_ =	swait.ge @!p4 [sflag:s12], $0x20  }
0x24: {  	s14 =	simm.s32 @!p1 $0x1;
	s11 =	sshrl.u32 @!p1 s4, $0x3;
	[sflag:s12] =	ssyncset.done @!p4 $0x0  }
0x25: {  	s16 =	simm.s32 @!p2 $0x0;
	s11 =	sadd.s32 @!p1 s5, s11;
	[sflag:s12] =	ssyncadd.s32 @!p4 $0xFFFFFFE0  }
0x26: {  	[tilespmem:s13], [sflag:$0x1] =	stream.linear.gather @!p2 [hbm4b:s7+s16], $0x20, $0x38;
	[tilespmem:$0x80] =	vst v63  }
0x27: {  	p5 =	sne.s32 s15, s10;
	_ =	swait.ge @!p1 [sflag:s14], $0x20  }
0x28: {  	s12 =	sand.u32 @!p1 $0x20, s9;
	[sflag:s14] =	ssyncset.done @!p1 $0x0  }
0x29: {  	s13 =	sor.u32 @!p1 $0x40, s12;
	[sflag:s14] =	ssyncadd.s32 @!p1 $0xFFFFFFE0  }
0x2a: {  	v1 =	vld @!p1 [tilespmem:s12+$0x10]  }
.Ltmp2:
0x2b: {  	v0 =	vld @!p1 [tilespmem:s12+$0x0];
	(pc) =	sbr.rel @p5 .LBB2_3-.Ltmp2, $3  }
0x2c: {  	_ =	sdelay $0x1  }
0x2d: {  	s15 =	smov.u32 s19;
	s9 =	sadd.s32 $0x20, s9;
	s16 =	simm.s32 @!p1 $0x0  }
0x2e: {  	p4 =	slt.u32 s18, $0x2;
	p2 =	sge.u32 s6, s8;
	s14 =	sadd.s32 $0xFFFFFFFF, s6;
	[tilespmem:s12+$0x50] =	vst @!p1 v1  }
.LBB2_4:
0x2f: {  	p1 =	por p1, !p3;
	p3 =	por p4, !p3  }
0x30: {  	[tilespmem:s12+$0x40] =	vst @!p1 v0;
	s10 =	simm.s32 @!p3 $0x2  }
0x31: {  	[hbm4b:s11+s16] =	stream.linear.scatter @!p1 [tilespmem:s13], [sflag:$0x2], $0x20, $0x38;
	[tilespmem:$0x80] =	vst v63  }
0x32: {  	s12 =	simm.s32 @!p2 $0x0;
	_ =	swait.ge @!p3 [sflag:s10], $0x20  }
0x33: {  	s11 =	sxor.u32 @!p2 $0xFFFFFFFF, s9;
	p1 =	sge.u32 s14, s8;
	[sflag:s10] =	ssyncset.done @!p3 $0x0  }
0x34: {  	s11 =	sand.u32 @!p2 $0x20, s11;
	s8 =	simm.s32 @!p1 $0x1;
	[sflag:s10] =	ssyncadd.s32 @!p3 $0xFFFFFFE0  }
0x35: {  	[tilespmem:s11], [sflag:$0x1] =	stream.linear.gather @!p2 [hbm4b:s7+s12], $0x20, $0x38;
	[tilespmem:$0x80] =	vst v63  }
0x36: {  	_ =	swait.ge @!p1 [sflag:s8], $0x20  }
0x37: {  	[sflag:s8] =	ssyncset.done @!p1 $0x0  }
0x38: {  	s7 =	sand.u32 @!p1 $0x20, s9;
	[sflag:s8] =	ssyncadd.s32 @!p1 $0xFFFFFFE0  }
0x39: {  	v0 =	vld @!p1 [tilespmem:s7+$0x10]  }
0x3a: {  	v1 =	vld @!p1 [tilespmem:s7+$0x0];
	_ =	sdelay $0x2  }
0x3b: {  	s4 =	sshrl.u32 @!p1 s4, $0x3  }
0x3c: {  	s4 =	sadd.s32 @!p1 s5, s4;
	p2 =	slt.u32 s6, $0x2;
	[tilespmem:s7+$0x50] =	vst @!p1 v0  }
0x3d: {  	s6 =	simm.s32 @!p1 $0x0;
	s5 =	sor.u32 @!p1 $0x40, s7;
	[tilespmem:s7+$0x40] =	vst @!p1 v1;
	s7 =	simm.s32 @!p2 $0x2  }
0x3e: {  	[hbm4b:s4+s6] =	stream.linear.scatter @!p1 [tilespmem:s5], [sflag:$0x2], $0x20, $0x38;
	[tilespmem:$0x80] =	vst v63  }
0x3f: {  	_ =	swait.ge @!p2 [sflag:s7], $0x20  }
0x40: {  	[sflag:s7] =	ssyncset.done @!p2 $0x0  }
0x41: {  	[sflag:s7] =	ssyncadd.s32 @!p2 $0xFFFFFFE0  }
0x42: {  	_ =	sfence.sel $0x180000  }
0x43: {  	[bflag:$0x0] =	sbarrier.arrive $0xFFFF  }
0x44: {  	[sflag:s2] =	ssyncpa.u1 $0x1  }
0x45: {  	[sflag:s3] =	ssyncpa.u1 $0x1  }
0x46: {  	_ =	strace $0x90000047  }
0x47: {  	s0 =	sadd.s32 @!p0 $0x100000, s0;
	[bflag:$0x2] =	sbarrier.arrive $0xFFFF  }
0x48: {  	[sflag:s0] =	ssyncadd.tile.s32 @!p0 $0x1;
	s0 =	simm.s32 @!p0 $0x3F  }
0x49: {  	_ =	swait.ge @!p0 [sflag:s0], s1  }
0x4a: {  	s1 =	ssub.s32 @!p0 $0x0, s1;
	[sflag:s0] =	ssyncset.done @!p0 $0x0  }
0x4b: {  	[sflag:s0] =	ssyncadd.s32 @!p0 s1  }
0x4c: {  	[bflag:$0x3] =	sbarrier.arrive $0xFFFF  }
0x4d: {  	_ =	shalt  }
.LBB2_1:
.Ltmp3:
0x4e: {  	(pc) =	sbr.rel .LBB2_4-.Ltmp3, $2  }
0x4f: {  	_ =	sdelay $0x2  }
0x50: {  	s6 =	simm.s32 $0x0  }
.Lfunc_end2:
execute1_lowered:
.L_overlay_start_2:
0x51: {  	(tag) =	ssettag $0x2  }
0x52: {  	s1 =	rddreg [dreg:$0x0]  }
0x53: {  	s2 =	rddreg [dreg:$0x1]  }
0x54: {  	s3 =	rddreg [dreg:$0x2]  }
0x55: {  	s0 =	rddreg [dreg:$0x3];
	_ =	strace $0x8000004A;
	s4 =	stileid.u32  }
0x56: {  	s5 =	simm.s32 $0x3E;
	s1 =	sadd.s32 $0x200, s1;
	p0 =	sne.s32 s4, $0x0  }
0x57: {  	[sflag:s5] =	ssyncpa.u1 $0x0;
	s6 =	simm.s32 @!p0 $0x1C3E;
	s7 =	simm.s32 @!p0 $0x0  }
0x58: {  	[spmem:s7], [sflag:s6] =	dma.local @!p0 [hbm:s1], $0x40  }
0x59: {  	s6 =	simm.s32 @!p0 $0x3E  }
0x5a: {  	_ =	swait.ge @!p0 [sflag:s6], $0x40  }
0x5b: {  	[sflag:s6] =	ssyncset.done @!p0 $0x0  }
0x5c: {  	[sflag:s6] =	ssyncadd.s32 @!p0 $0xFFFFFFC0  }
0x5d: {  	s28 =	simm.s32 $0x1;
	[bflag:$0x0] =	sbarrier.arrive $0xFFFF  }
0x5e: {  	s29 =	simm.s32 $0x2;
	s4 =	sshll.u32 s4, $0x7;
	[sflag:s5] =	ssyncpa.u1 $0x1  }
0x5f: {  	s31 =	simm.s32 $0x420;
	s30 =	sadd.s32 s2, s4;
	[sflag:s28] =	ssyncpa.u1 $0x0  }
0x60: {  	s2 =	simm.s32 $0x0;
	(ifvalue) =	ssetifvalue $0x200;
	[sflag:s29] =	ssyncpa.u1 $0x0  }
0x61: {  	[tilespmem:s31], [sflag:$0x2] =	stream.linear.gather [hbm4b:s30+s2], $0x400, $0x38;
	[tilespmem:$0x1020] =	vst v63  }
0x62: {  	s4 =	sadd.s32 s3, s4;
	s3 =	simm.s32 $0xC20  }
0x63: {  	[tilespmem:s3], [sflag:$0x2] =	stream.linear.gather [hbm4b:s4+s2], $0x400, $0x38;
	[tilespmem:$0x1020] =	vst v63  }
0x64: {  	_ =	swait.ge [sflag:s29], $0x800  }
0x65: {  	[sflag:s29] =	ssyncset.done $0x0  }
0x66: {  	[sflag:s29] =	ssyncadd.s32 $0xFFFFF800  }
0x67: {  	v0 =	vld.msk [tilespmem:s31+$0x0 ss:$0x1], $0xffff;
	_ =	sdelay $0x4  }
0x68: {  	v0 =	vmin.u32 v0, $0x200;
	_ =	sdelay $0x3  }
0x69: {  	vm0 =	vmmov $0xffff;
	s5 =	simm.s32 $0x430;
	s4 =	simm.s32 $0x0  }
0x6a: {  	[spmem:s2] =	stream.indirect_vreg.scatter.add.s32 [tilespmem:s3], [sflag:$0x1], $0x1, v0, vm0, $0x4038;
	[tilespmem:$0x1020] =	vst v63  }
.LBB3_1:
0x6b: {  	v0 =	vld.msk [tilespmem:s5+$0x0 ss:$0x1], $0xffff;
	s4 =	sadd.s32 $0x10, s4  }
0x6c: {  	p1 =	slt.u32 s4, $0x3F0;
	_ =	sdelay $0x4  }
0x6d: {  	v0 =	vmin.u32 v0, $0x200  }
.Ltmp4:
0x6e: {  	(pc) =	sbr.rel @p1 .LBB3_1-.Ltmp4, $3  }
0x6f: {  	_ =	sdelay $0x1  }
0x70: {  	s5 =	sadd.s32 $0x10, s5;
	s3 =	sadd.s32 $0x10, s3  }
0x71: {  	[spmem:s2] =	stream.indirect_vreg.scatter.add.s32 [tilespmem:s3], [sflag:$0x1], $0x1, v0, vm0, $0x4038;
	[tilespmem:$0x1020] =	vst v63  }
0x72: {  	s2 =	simm.s32 $0x1  }
0x73: {  	_ =	swait.ge [sflag:s2], $0x400  }
0x74: {  	[sflag:s2] =	ssyncset.done $0x0  }
0x75: {  	[sflag:s2] =	ssyncadd.s32 $0xFFFFFC00  }
0x76: {  	_ =	sfence.sel $0x180000  }
0x77: {  	s3 =	simm.s32 $0x2;
	[bflag:$0x0] =	sbarrier.arrive $0xFFFF  }
0x78: {  	[sflag:s3] =	ssyncpa.u1 $0x1  }
0x79: {  	[sflag:s2] =	ssyncpa.u1 $0x1  }
0x7a: {  	_ =	sfence.stream.spmem  }
0x7b: {  	s31 =	simm.s32 $0x3D;
	[bflag:$0x0] =	sbarrier.arrive $0xFFFF  }
0x7c: {  	s2 =	simm.s32 @p0 $0x3D;
	[sflag:s31] =	ssyncpa.u1 $0x0  }
0x7d: {  	[sflag:s2] =	ssyncpa.u1 @p0 $0x1  }
0x7e: {  	[bflag:$0x0] =	sbarrier.arrive @p0 $0xFFFF  }
0x7f: {  	_ =	strace @p0 $0x9000004A  }
0x80: {  	s3 =	simm.s32 @!p0 $0x1C3D;
	s2 =	simm.s32 @!p0 $0x0;
	[bflag:$0x2] =	sbarrier.arrive @p0 $0xFFFF  }
0x81: {  	[hbm:s1], [sflag:s3] =	dma.local @!p0 [spmem:s2], $0x40  }
0x82: {  	s1 =	simm.s32 @!p0 $0x3D  }
0x83: {  	_ =	swait.ge @!p0 [sflag:s1], $0x40  }
0x84: {  	[sflag:s1] =	ssyncset.done @!p0 $0x0  }
0x85: {  	[sflag:s1] =	ssyncadd.s32 @!p0 $0xFFFFFFC0  }
0x86: {  	[sflag:s1] =	ssyncpa.u1 @!p0 $0x1  }
0x87: {  	[bflag:$0x0] =	sbarrier.arrive @!p0 $0xFFFF  }
0x88: {  	_ =	strace @!p0 $0x9000004A  }
0x89: {  	s0 =	sadd.s32 @!p0 $0x100000, s0;
	[bflag:$0x2] =	sbarrier.arrive @!p0 $0xFFFF  }
0x8a: {  	[sflag:s0] =	ssyncadd.tile.s32 @!p0 $0x1;
	_ =	shalt  }
.Lfunc_end3:
_tile_overlayer_lowered:
.L_overlay_start_3:
0x8b: {  	(tag) =	ssettag $0x3  }
0x8c: {  	s0 =	rddreg [dreg:$0x0];
	s2 =	stileid.u32  }
0x8d: {  	s1 =	rddreg [dreg:$0x1];
	p0 =	sne.s32 s2, $0x0  }
0x8e: {  	s3 =	rddreg [dreg:$0x2];
	[bflag:$0x3] =	sbarrier.arrive $0xFFFF;
	s2 =	simm.s32 @!p0 $0x1C01  }
0x8f: {  	[timem:s3], [sflag:s2] =	dma.local @!p0 [hbm:s0], s1  }
0x90: {  	s0 =	simm.s32 @!p0 $0x1  }
0x91: {  	_ =	swait.ge @!p0 [sflag:s0], s1  }
0x92: {  	s1 =	ssub.s32 @!p0 $0x0, s1;
	[sflag:s0] =	ssyncset.done @!p0 $0x0  }
0x93: {  	[sflag:s0] =	ssyncadd.s32 @!p0 s1  }
0x94: {  	[bflag:$0x3] =	sbarrier.arrive $0xFFFF  }
0x95: {  	_ =	shalt  }

// kernel: scatter_offload_async_start
scs
__scs_entry_jumppad:
0x0: {  	(pc) =	sbr.rel $0x88, $3  }
0x1: {  	(tag) =	ssettag $0x0;
	lr =	simm.s32 $0x1  }
0x2: {  	[smem:$0x3F98] =	sst lr;
	_ =	strace $0xD0000000  }
0x3: {  	_ = 	snop  }
0x4: {  	_ = 	snop  }
0x5: {  	_ = 	snop  }
0x6: {  	_ = 	snop  }
0x7: {  	_ = 	snop  }
__scs_overlays_trampoline_lowered:
0x8: {  	[smem:$0x3FA7] =	sst s0  }
0x9: {  	[smem:$0x3FA8] =	sst s1  }
0xa: {  	[smem:$0x3FA9] =	sst s2  }
0xb: {  	[smem:$0x3FAA] =	sst s3  }
0xc: {  	[smem:$0x3FAB] =	sst s4  }
0xd: {  	[smem:$0x3FAC] =	sst s5  }
0xe: {  	[smem:$0x3FAD] =	sst s6  }
0xf: {  	[smem:$0x3FAE] =	sst s7  }
0x10: {  	[smem:$0x3FAF] =	sst s8  }
0x11: {  	[smem:$0x3FB0] =	sst s9;
	s0 =	simm.s32 @!p0 $0x0  }
0x12: {  	s1 =	sld [smem:$0x3F96];
	s0 =	simm.s32 @p0 $0x1  }
0x13: {  	[smem:$0x3FB1] =	sst s0;
	s0 =	simm.s32 @!p1 $0x0  }
0x14: {  	s2 =	sld [smem:$0x3F95];
	s0 =	simm.s32 @p1 $0x1  }
0x15: {  	[smem:$0x3FB2] =	sst s0;
	s0 =	simm.s32 @!p2 $0x0  }
0x16: {  	s3 =	sld [smem:$0x3FDB];
	s0 =	simm.s32 @p2 $0x1  }
0x17: {  	s4 =	simm.s32 $0x1BF5;
	[smem:$0x3FB4] =	sst s0  }
0x18: {  	s0 =	sld [smem:$0x3F97];
	_ =	swait.ge [sflag:s4], $0x0  }
0x19: {  	s7 =	sld [smem:$0x3F98]  }
0x1a: {  	s8 =	sadd.s32 $0xFFFFE003, lr  }
0x1b: {  	s9 =	sadd.s32 $0xFFFFFEF7, lr;
	s5 =	simm.s32 $0xFFFFFFFF;
	p2 =	slt.u32 s8, $0xFFFFF086  }
0x1c: {  	p1 =	slt.u32 s9, $0xF7A;
	s5 =	simm.s32 @!p2 $0x0  }
0x1d: {  	s5 =	simm.s32 @p1 $0x1;
	p0 =	seq.s32 s7, s2  }
0x1e: {  	s7 =	smul.u32 @!p0 $0xF7A, s2;
	p2 =	seq.s32 @!p0 s5, $0x0  }
0x1f: {  	s9 =	smul.u32 $0xF7A, s1;
	s8 =	simm.s32 @!p0 $0x1BF5;
	p2 =	por !p2, p0  }
0x20: {  	[sflag:s8] =	ssyncset.s32 @!p0 $0xFFFFF086;
	s6 =	sadd.s32 @!p0 s3, s7;
	s7 =	simm.s32 @!p0 $0x108  }
0x21: {  	s3 =	sadd.s32 s3, s9;
	s6 =	sadd.s32 @!p0 $0x88, s6;
	s7 =	simm.s32 @p2 $0x1082  }
0x22: {  	[simem:s7], [sflag:s8] =	dma.local @!p0 [hbm:s6], $0xF7A  }
0x23: {  	s9 =	sor.u32 $0xD0000000, s2;
	s6 =	simm.s32 $0x108;
	_ =	swait.ge @!p0 [sflag:s8], $0x0  }
0x24: {  	s3 =	sadd.s32 $0x88, s3;
	s6 =	simm.s32 @!p1 $0x1082;
	[sflag:s4] =	ssyncset.s32 $0xFFFFF086  }
0x25: {  	[simem:s6], [sflag:s4] =	dma.local [hbm:s3], $0xF7A  }
0x26: {  	[smem:$0x3F98] =	sst s1;
	(tag) =	ssettag s2;
	_ =	strace s9  }
0x27: {  	s1 =	sld [smem:$0x3FA8]  }
0x28: {  	s2 =	sld [smem:$0x3FA9]  }
0x29: {  	s4 =	sld [smem:$0x3FAB]  }
0x2a: {  	p0 =	seq.s32 s5, $0x0;
	s5 =	sld [smem:$0x3FAC]  }
0x2b: {  	s6 =	sld [smem:$0x3FAD]  }
0x2c: {  	s7 =	sld [smem:$0x3FAE]  }
0x2d: {  	s3 =	simm.s32 $0x108;
	s8 =	sld [smem:$0x3FAF]  }
0x2e: {  	s3 =	simm.s32 @!p0 $0x1082;
	s9 =	sld [smem:$0x3FB0]  }
0x2f: {  	lr =	sadd.s32 s0, s3;
	s0 =	sld [smem:$0x3FA7]  }
0x30: {  	s3 =	sld [smem:$0x3FAA]  }
0x31: {  	[smem:$0x3FB3] =	sst s10  }
0x32: {  	s10 =	sld [smem:$0x3FB1];
	_ =	sdelay $0x3  }
0x33: {  	p0 =	seq.s32 s10, $0x1;
	s10 =	sld [smem:$0x3FB3];
	_ =	sdelay $0x3  }
0x34: {  	[smem:$0x3FB3] =	sst s10  }
0x35: {  	s10 =	sld [smem:$0x3FB2];
	_ =	sdelay $0x3  }
0x36: {  	p1 =	seq.s32 s10, $0x1;
	s10 =	sld [smem:$0x3FB3];
	_ =	sdelay $0x3  }
0x37: {  	[smem:$0x3FB3] =	sst s10  }
0x38: {  	s10 =	sld [smem:$0x3FB4]  }
0x39: {  	_ = 	snop;
	(pc) =	sbr.ind lr, $3  }
0x3a: {  	_ = 	snop  }
0x3b: {  	_ = 	snop  }
0x3c: {  	p2 =	seq.s32 s10, $0x1;
	s10 =	sld [smem:$0x3FB3]  }
0x3d: {  	_ =	shalt  }
0x3e: {  	_ =	shalt  }
0x3f: {  	_ =	shalt  }
0x40: {  	_ =	shalt  }
0x41: {  	_ =	shalt  }
0x42: {  	_ =	shalt  }
0x43: {  	_ =	shalt  }
0x44: {  	_ =	shalt  }
0x45: {  	_ =	shalt  }
0x46: {  	_ =	shalt  }
0x47: {  	_ =	shalt  }
0x48: {  	_ =	shalt  }
0x49: {  	_ =	shalt  }
0x4a: {  	_ =	shalt  }
0x4b: {  	_ =	shalt  }
0x4c: {  	_ =	shalt  }
0x4d: {  	_ =	shalt  }
0x4e: {  	_ =	shalt  }
0x4f: {  	_ =	shalt  }
0x50: {  	_ =	shalt  }
0x51: {  	_ =	shalt  }
0x52: {  	_ =	shalt  }
0x53: {  	_ =	shalt  }
0x54: {  	_ =	shalt  }
0x55: {  	_ =	shalt  }
0x56: {  	_ =	shalt  }
0x57: {  	_ =	shalt  }
0x58: {  	_ =	shalt  }
0x59: {  	_ =	shalt  }
0x5a: {  	_ =	shalt  }
0x5b: {  	_ =	shalt  }
0x5c: {  	_ =	shalt  }
0x5d: {  	_ =	shalt  }
0x5e: {  	_ =	shalt  }
0x5f: {  	_ =	shalt  }
0x60: {  	_ =	shalt  }
0x61: {  	_ =	shalt  }
0x62: {  	_ =	shalt  }
0x63: {  	_ =	shalt  }
0x64: {  	_ =	shalt  }
0x65: {  	_ =	shalt  }
0x66: {  	_ =	shalt  }
0x67: {  	_ =	shalt  }
0x68: {  	_ =	shalt  }
0x69: {  	_ =	shalt  }
0x6a: {  	_ =	shalt  }
0x6b: {  	_ =	shalt  }
0x6c: {  	_ =	shalt  }
0x6d: {  	_ =	shalt  }
0x6e: {  	_ =	shalt  }
0x6f: {  	_ =	shalt  }
0x70: {  	_ =	shalt  }
0x71: {  	_ =	shalt  }
0x72: {  	_ =	shalt  }
0x73: {  	_ =	shalt  }
0x74: {  	_ =	shalt  }
0x75: {  	_ =	shalt  }
0x76: {  	_ =	shalt  }
0x77: {  	_ =	shalt  }
0x78: {  	_ =	shalt  }
0x79: {  	_ =	shalt  }
0x7a: {  	_ =	shalt  }
0x7b: {  	_ =	shalt  }
0x7c: {  	_ =	shalt  }
0x7d: {  	_ =	shalt  }
0x7e: {  	_ =	shalt  }
0x7f: {  	_ =	shalt  }
0x80: {  	_ =	shalt  }
0x81: {  	_ =	shalt  }
0x82: {  	_ =	shalt  }
0x83: {  	_ =	shalt  }
0x84: {  	_ =	shalt  }
0x85: {  	_ =	shalt  }
0x86: {  	_ =	shalt  }
0x87: {  	_ =	shalt  }
.Lfunc_end0:
.L_simem_size_0:
called_computation_lowered:
.L_overlay_start_0:
0x88: {  	s0 =	sld [smem:$0x3FD9]  }
0x89: {  	s1 =	sld [smem:$0x3FFE];
	_ =	sdelay $0x3  }
0x8a: {  	s0 =	sadd.s32 s1, s0  }
0x8b: {  	[smem:$0x3FBF] =	sst s0  }
0x8c: {  	_ = 	snop  }
0x8d: {  	s0 =	sld [smem:$0x3FD0];
	_ =	sdelay $0x2  }
0x8e: {  	s12 =	simm.s32 $0xD;
	s2 =	simm.s32 $0x10  }
0x8f: {  	[smem:s2], [sflag:s12] =	dma.local [hbm:s0], $0x1  }
0x90: {  	_ =	swait.eq [sflag:s12], $0x1  }
0x91: {  	[sflag:s12] =	ssyncset.done $0x0  }
0x92: {  	[sflag:s12] =	ssyncadd.s32 $0xFFFFFFFF  }
0x93: {  	s13 =	sld [smem:$0x14];
	(tm) =	ssettm $0x1  }
0x94: {  	s14 =	sld [smem:$0x3FFB];
	_ =	sdelay $0x3  }
0x95: {  	_ =	strace s14  }
0x96: {  	s0 =	sld [smem:$0x3FFC];
	_ =	sdelay $0x3  }
0x97: {  	_ =	strace s0  }
0x98: {  	s0 =	sld [smem:$0x3FFD];
	_ =	sdelay $0x3  }
0x99: {  	_ =	strace s0  }
0x9a: {  	_ =	strace $0x8FFFFFFF  }
0x9b: {  	s15 =	sld [smem:$0x3FDB];
	_ =	sdelay $0x1  }
0x9c: {  	s16 =	simm.s32 $_scs_section_size  }
0x9d: {  	s3 =	simm.s32 $_size__tile_overlayer_lowered;
	s4 =	simm.s32 $_tile_overlayer_lowered  }
0x9e: {  	s5 =	simm.s32 $0x1BFF;
	s17 =	sshll.u32 s4, $0x1;
	s2 =	sadd.s32 s16, s15  }
0x9f: {  	s18 =	simm.s32 $0x0;
	s3 =	sshll.u32 s3, $0x1;
	s4 =	sadd.s32 s17, s2  }
0xa0: {  	[timem:s18], [sflag:s5] =	dma.local [hbm:s4], s3  }
0xa1: {  	_ =	swait.ge [sflag:s5], s3  }
0xa2: {  	s3 =	ssub.s32 $0x0, s3;
	[sflag:s5] =	ssyncset.done $0x0  }
0xa3: {  	[sflag:s5] =	ssyncadd.s32 s3;
	_ =	sdelay $0x1  }
0xa4: {  	s19 =	simm.s32 $0x1B8B  }
0xa5: {  	_ =	swait.ge [sflag:s19], $0x1  }
0xa6: {  	[sflag:s19] =	ssyncset.done $0x0  }
0xa7: {  	s21 =	simm.s32 $0x1B8E;
	s20 =	sld [smem:$0x3FFE];
	[sflag:s19] =	ssyncadd.s32 $0xFFFFFFFF  }
0xa8: {  	s22 =	simm.s32 $execute0_lowered;
	[smem:$0x3FD2] =	sst s21  }
0xa9: {  	s4 =	sshll.u32 s22, $0x1;
	_ =	strace $0x8000004C;
	[dreg:$0x1] =	wrdreg $0xFFFFFFFF  }
0xaa: {  	s23 =	simm.s32 $_size_execute0_lowered;
	s4 =	sadd.s32 s2, s4;
	[dreg:$0x0] =	wrdreg $0x0  }
0xab: {  	s5 =	sshll.u32 s23, $0x1;
	[dreg:$0x2] =	wrdreg s4  }
0xac: {  	[dreg:$0x3] =	wrdreg s5  }
0xad: {  	[dreg:$0x4] =	wrdreg $0xC0  }
0xae: {  	s24 =	simm.s32 $execute1_lowered;
	_ =	task [dreg:s18], $0x5FFFF  }
0xaf: {  	s4 =	sshll.u32 s24, $0x1;
	[dreg:$0x1] =	wrdreg $0xFFFFFFFF  }
0xb0: {  	s2 =	sadd.s32 s2, s4;
	[dreg:$0x0] =	wrdreg $0x60  }
0xb1: {  	[dreg:$0x2] =	wrdreg s2  }
0xb2: {  	[dreg:$0x3] =	wrdreg s20  }
0xb3: {  	[dreg:$0x4] =	wrdreg $0x9  }
0xb4: {  	_ =	task.clear_ibuf [dreg:s18], $0x5FFFF;
	_ =	strace $0x9000004C  }
0xb5: {  	s25 =	simm.s32 $0x9;
	_ =	strace $0x8000004E  }
0xb6: {  	_ =	swait.ge [sflag:s25], $0x1  }
0xb7: {  	[sflag:s25] =	ssyncadd.s32 $0xFFFFFFFF  }
0xb8: {  	_ =	strace $0x9000004E  }
0xb9: {  	_ =	strace $0x8000004F;
	[dreg:$0x1] =	wrdreg $0xFFFFFFFF  }
0xba: {  	[dreg:$0x0] =	wrdreg $0x2030  }
0xbb: {  	[dreg:$0x2] =	wrdreg s20  }
0xbc: {  	[dreg:$0x3] =	wrdreg s13  }
0xbd: {  	[dreg:$0x4] =	wrdreg $0xA  }
0xbe: {  	_ =	task.clear_ibuf [dreg:s18], $0x5FFFF;
	_ =	strace $0x9000004F  }
0xbf: {  	s26 =	simm.s32 $0xA;
	_ =	strace $0x80000051  }
0xc0: {  	_ =	swait.ge [sflag:s26], $0x1  }
0xc1: {  	[sflag:s26] =	ssyncadd.s32 $0xFFFFFFFF  }
0xc2: {  	_ =	strace $0x90000051  }
0xc3: {  	_ =	sfence  }
0xc4: {  	s28 =	sld [smem:$0x0];
	_ =	sdelay $0x1  }
0xc5: {  	s29 =	srdreg.scid  }
0xc6: {  	s30 =	sshll.u32 s29, $0xD;
	s31 =	sshrl.u32 s29, $0x2  }
0xc7: {  	s3 =	sand.u32 $0x4000, s30;
	s2 =	sand.u32 $0x1, s29;
	s1 =	sadd.s32 s31, s28  }
0xc8: {  	s2 =	sor.u32 s3, s2;
	s1 =	sshll.u32 s1, $0x11  }
0xc9: {  	s1 =	sor.u32 s1, s2  }
0xca: {  	s1 =	sadd.s32 $0x8F2B, s1  }
0xcb: {  	[sflag:s1] =	ssyncadd.remote.s32 $0x1  }
0xcc: {  	_ =	sfence.sel $0xFFFF  }
0xcd: {  	[dreg:$0x0] =	wrdreg $0xFFFFFFFF;
	(pc) =	sbr.abs _section_cstart, $3  }
0xce: {  	[dreg:$0x1] =	wrdreg $0xFFFFFFFF  }
0xcf: {  	_ =	task.clear_ibuf [dreg:s18], $0x2FFFF;
	_ =	strace $0x9FFFFFFF  }
0xd0: {  	(tm) =	ssettm $0x7FFFFFFF  }
0xd1: {  	_ =	shalt  }
tec
execute0_lowered:
.L_overlay_start_1:
0x0: {  	(tag) =	ssettag $0x1  }
0x1: {  	s2 =	rddreg [dreg:$0x0]  }
0x2: {  	s6 =	rddreg [dreg:$0x1]  }
0x3: {  	s0 =	rddreg [dreg:$0x2];
	s7 =	stileid.u32  }
0x4: {  	[bflag:$0x3] =	sbarrier.arrive $0xFFFF;
	s1 =	simm.s32 $_size_execute1_lowered;
	p0 =	sne.s32 s7, $0x0  }
0x5: {  	s1 =	sshll.u32 s1, $0x1;
	s3 =	simm.s32 @!p0 $0x1C3F;
	s4 =	simm.s32 @!p0 $0x4060  }
0x6: {  	[timem:s4], [sflag:s3] =	dma.local @!p0 [hbm:s2], s1  }
0x7: {  	s4 =	sshll.u32 s7, $0x5  }
0x8: {  	s31 =	ssub.s32 $0x200, s4  }
0x9: {  	s8 =	sand.u32 $0x1E0, s31  }
0xa: {  	p1 =	sne.s32 s8, $0x0;
	s8 =	simm.s32 $0x1  }
0xb: {  	s9 =	sshrl.u32 s31, $0x9;
	s8 =	simm.s32 @!p1 $0x0  }
0xc: {  	s8 =	sadd.s32 s8, s9  }
0xd: {  	s10 =	sadd.s32 $0x1, s8  }
0xe: {  	p1 =	sne.s32 s10, $0x0  }
.Ltmp0:
0xf: {  	s14 =	simm.s32 $0xFFFFFFFF;
	(pc) =	sbr.rel @!p1 .LBB2_1-.Ltmp0, $4  }
0x10: {  	p3 =	por $0x0, $0x0;
	s5 =	sadd.s32 $0x400, s6;
	s2 =	simm.s32 $0x1  }
0x11: {  	s3 =	simm.s32 $0x2;
	s7 =	sshll.u32 s7, $0x2;
	_ =	strace $0x8000004D  }
0x12: {  	s7 =	sadd.s32 s7, s6;
	s6 =	simm.s32 $0x1;
	[sflag:s2] =	ssyncpa.u1 $0x0  }
0x13: {  	[sflag:s3] =	ssyncpa.u1 $0x0;
	s9 =	simm.s32 $0x0;
	p2 =	sle.u32 s8, $0x0  }
0x14: {  	s11 =	sxor.u32 @!p2 $0xFFFFFFFF, s9;
	p1 =	sle.u32 s8, $0xFFFFFFFF  }
0x15: {  	s12 =	simm.s32 @!p2 $0x0;
	s11 =	sand.u32 @!p2 $0x20, s11;
	s13 =	simm.s32 @!p1 $0x1  }
0x16: {  	[tilespmem:s11], [sflag:$0x1] =	stream.linear.gather @!p2 [hbm4b:s7+s12], $0x20, $0x38;
	[tilespmem:$0x80] =	vst v63  }
0x17: {  	_ =	swait.ge @!p1 [sflag:s13], $0x20  }
0x18: {  	[sflag:s13] =	ssyncset.done @!p1 $0x0  }
0x19: {  	s12 =	sand.u32 @!p1 $0x20, s9;
	[sflag:s13] =	ssyncadd.s32 @!p1 $0xFFFFFFE0  }
0x1a: {  	p5 =	sne.s32 s10, $0x1;
	v1 =	vld @!p1 [tilespmem:s12+$0x10]  }
.Ltmp1:
0x1b: {  	v0 =	vld @!p1 [tilespmem:s12+$0x0];
	(pc) =	sbr.rel @!p5 .LBB2_4-.Ltmp1, $4  }
0x1c: {  	s15 =	simm.s32 $0x2  }
0x1d: {  	s14 =	simm.s32 $0x0;
	p4 =	por $0x1, $0x1;
	p3 =	por $0x1, $0x1  }
0x1e: {  	s16 =	simm.s32 @!p1 $0x0;
	s9 =	sshrl.u32 @!p1 s4, $0x3;
	p2 =	sle.u32 s8, $0x1  }
0x1f: {  	s11 =	sadd.s32 @!p1 s5, s9;
	s9 =	simm.s32 $0x20;
	s13 =	sor.u32 @!p1 $0x40, s12;
	[tilespmem:s12+$0x50] =	vst @!p1 v1  }
.LBB2_3:
0x20: {  	s17 =	sxor.u32 @!p2 $0xFFFFFFFF, s9;
	[tilespmem:s12+$0x40] =	vst @!p1 v0;
	s12 =	simm.s32 @!p4 $0x2  }
0x21: {  	s18 =	smov.u32 s6;
	s6 =	smov.u32 s15;
	s19 =	sadd.s32 $0x1, s15  }
0x22: {  	[hbm4b:s11+s16] =	stream.linear.scatter @!p1 [tilespmem:s13], [sflag:$0x2], $0x20, $0x38;
	[tilespmem:$0x80] =	vst v63  }
0x23: {  	s13 =	sand.u32 @!p2 $0x20, s17;
	p1 =	sge.u32 s14, s8;
	_ =	swait.ge @!p4 [sflag:s12], $0x20  }
0x24: {  	s14 =	simm.s32 @!p1 $0x1;
	s11 =	sshrl.u32 @!p1 s4, $0x3;
	[sflag:s12] =	ssyncset.done @!p4 $0x0  }
0x25: {  	s16 =	simm.s32 @!p2 $0x0;
	s11 =	sadd.s32 @!p1 s5, s11;
	[sflag:s12] =	ssyncadd.s32 @!p4 $0xFFFFFFE0  }
0x26: {  	[tilespmem:s13], [sflag:$0x1] =	stream.linear.gather @!p2 [hbm4b:s7+s16], $0x20, $0x38;
	[tilespmem:$0x80] =	vst v63  }
0x27: {  	p5 =	sne.s32 s15, s10;
	_ =	swait.ge @!p1 [sflag:s14], $0x20  }
0x28: {  	s12 =	sand.u32 @!p1 $0x20, s9;
	[sflag:s14] =	ssyncset.done @!p1 $0x0  }
0x29: {  	s13 =	sor.u32 @!p1 $0x40, s12;
	[sflag:s14] =	ssyncadd.s32 @!p1 $0xFFFFFFE0  }
0x2a: {  	v1 =	vld @!p1 [tilespmem:s12+$0x10]  }
.Ltmp2:
0x2b: {  	v0 =	vld @!p1 [tilespmem:s12+$0x0];
	(pc) =	sbr.rel @p5 .LBB2_3-.Ltmp2, $3  }
0x2c: {  	_ =	sdelay $0x1  }
0x2d: {  	s15 =	smov.u32 s19;
	s9 =	sadd.s32 $0x20, s9;
	s16 =	simm.s32 @!p1 $0x0  }
0x2e: {  	p4 =	slt.u32 s18, $0x2;
	p2 =	sge.u32 s6, s8;
	s14 =	sadd.s32 $0xFFFFFFFF, s6;
	[tilespmem:s12+$0x50] =	vst @!p1 v1  }
.LBB2_4:
0x2f: {  	p1 =	por p1, !p3;
	p3 =	por p4, !p3  }
0x30: {  	[tilespmem:s12+$0x40] =	vst @!p1 v0;
	s10 =	simm.s32 @!p3 $0x2  }
0x31: {  	[hbm4b:s11+s16] =	stream.linear.scatter @!p1 [tilespmem:s13], [sflag:$0x2], $0x20, $0x38;
	[tilespmem:$0x80] =	vst v63  }
0x32: {  	s12 =	simm.s32 @!p2 $0x0;
	_ =	swait.ge @!p3 [sflag:s10], $0x20  }
0x33: {  	s11 =	sxor.u32 @!p2 $0xFFFFFFFF, s9;
	p1 =	sge.u32 s14, s8;
	[sflag:s10] =	ssyncset.done @!p3 $0x0  }
0x34: {  	s11 =	sand.u32 @!p2 $0x20, s11;
	s8 =	simm.s32 @!p1 $0x1;
	[sflag:s10] =	ssyncadd.s32 @!p3 $0xFFFFFFE0  }
0x35: {  	[tilespmem:s11], [sflag:$0x1] =	stream.linear.gather @!p2 [hbm4b:s7+s12], $0x20, $0x38;
	[tilespmem:$0x80] =	vst v63  }
0x36: {  	_ =	swait.ge @!p1 [sflag:s8], $0x20  }
0x37: {  	[sflag:s8] =	ssyncset.done @!p1 $0x0  }
0x38: {  	s7 =	sand.u32 @!p1 $0x20, s9;
	[sflag:s8] =	ssyncadd.s32 @!p1 $0xFFFFFFE0  }
0x39: {  	v0 =	vld @!p1 [tilespmem:s7+$0x10]  }
0x3a: {  	v1 =	vld @!p1 [tilespmem:s7+$0x0];
	_ =	sdelay $0x2  }
0x3b: {  	s4 =	sshrl.u32 @!p1 s4, $0x3  }
0x3c: {  	s4 =	sadd.s32 @!p1 s5, s4;
	p2 =	slt.u32 s6, $0x2;
	[tilespmem:s7+$0x50] =	vst @!p1 v0  }
0x3d: {  	s6 =	simm.s32 @!p1 $0x0;
	s5 =	sor.u32 @!p1 $0x40, s7;
	[tilespmem:s7+$0x40] =	vst @!p1 v1;
	s7 =	simm.s32 @!p2 $0x2  }
0x3e: {  	[hbm4b:s4+s6] =	stream.linear.scatter @!p1 [tilespmem:s5], [sflag:$0x2], $0x20, $0x38;
	[tilespmem:$0x80] =	vst v63  }
0x3f: {  	_ =	swait.ge @!p2 [sflag:s7], $0x20  }
0x40: {  	[sflag:s7] =	ssyncset.done @!p2 $0x0  }
0x41: {  	[sflag:s7] =	ssyncadd.s32 @!p2 $0xFFFFFFE0  }
0x42: {  	_ =	sfence.sel $0x180000  }
0x43: {  	[bflag:$0x0] =	sbarrier.arrive $0xFFFF  }
0x44: {  	[sflag:s2] =	ssyncpa.u1 $0x1  }
0x45: {  	[sflag:s3] =	ssyncpa.u1 $0x1  }
0x46: {  	_ =	strace $0x9000004D  }
0x47: {  	s0 =	sadd.s32 @!p0 $0x100000, s0;
	[bflag:$0x2] =	sbarrier.arrive $0xFFFF  }
0x48: {  	[sflag:s0] =	ssyncadd.tile.s32 @!p0 $0x1;
	s0 =	simm.s32 @!p0 $0x3F  }
0x49: {  	_ =	swait.ge @!p0 [sflag:s0], s1  }
0x4a: {  	s1 =	ssub.s32 @!p0 $0x0, s1;
	[sflag:s0] =	ssyncset.done @!p0 $0x0  }
0x4b: {  	[sflag:s0] =	ssyncadd.s32 @!p0 s1  }
0x4c: {  	[bflag:$0x3] =	sbarrier.arrive $0xFFFF  }
0x4d: {  	_ =	shalt  }
.LBB2_1:
.Ltmp3:
0x4e: {  	(pc) =	sbr.rel .LBB2_4-.Ltmp3, $2  }
0x4f: {  	_ =	sdelay $0x2  }
0x50: {  	s6 =	simm.s32 $0x0  }
.Lfunc_end2:
execute1_lowered:
.L_overlay_start_2:
0x51: {  	(tag) =	ssettag $0x2  }
0x52: {  	s2 =	rddreg [dreg:$0x0]  }
0x53: {  	s3 =	rddreg [dreg:$0x1]  }
0x54: {  	s0 =	rddreg [dreg:$0x2];
	_ =	strace $0x80000050;
	s4 =	stileid.u32  }
0x55: {  	s5 =	simm.s32 $0x3E;
	s1 =	sadd.s32 $0x400, s2;
	p0 =	sne.s32 s4, $0x0  }
0x56: {  	[sflag:s5] =	ssyncpa.u1 $0x0;
	s6 =	simm.s32 @!p0 $0x1C3E;
	s7 =	simm.s32 @!p0 $0x0  }
0x57: {  	[spmem:s7], [sflag:s6] =	dma.local @!p0 [hbm:s1], $0x40  }
0x58: {  	s6 =	simm.s32 @!p0 $0x3E  }
0x59: {  	_ =	swait.ge @!p0 [sflag:s6], $0x40  }
0x5a: {  	[sflag:s6] =	ssyncset.done @!p0 $0x0  }
0x5b: {  	[sflag:s6] =	ssyncadd.s32 @!p0 $0xFFFFFFC0  }
0x5c: {  	s28 =	simm.s32 $0x1;
	s29 =	simm.s32 $0x2;
	[bflag:$0x0] =	sbarrier.arrive $0xFFFF  }
0x5d: {  	s2 =	sadd.s32 $0x84800, s2;
	s4 =	sshll.u32 s4, $0x7;
	[sflag:s5] =	ssyncpa.u1 $0x1  }
0x5e: {  	s31 =	simm.s32 $0x420;
	s30 =	sadd.s32 s2, s4;
	[sflag:s28] =	ssyncpa.u1 $0x0  }
0x5f: {  	s2 =	simm.s32 $0x0;
	(ifvalue) =	ssetifvalue $0x200;
	[sflag:s29] =	ssyncpa.u1 $0x0  }
0x60: {  	[tilespmem:s31], [sflag:$0x2] =	stream.linear.gather [hbm4b:s30+s2], $0x400, $0x38;
	[tilespmem:$0x1020] =	vst v63  }
0x61: {  	s4 =	sadd.s32 s3, s4;
	s3 =	simm.s32 $0xC20  }
0x62: {  	[tilespmem:s3], [sflag:$0x2] =	stream.linear.gather [hbm4b:s4+s2], $0x400, $0x38;
	[tilespmem:$0x1020] =	vst v63  }
0x63: {  	_ =	swait.ge [sflag:s29], $0x800  }
0x64: {  	[sflag:s29] =	ssyncset.done $0x0  }
0x65: {  	[sflag:s29] =	ssyncadd.s32 $0xFFFFF800  }
0x66: {  	v0 =	vld.msk [tilespmem:s31+$0x0 ss:$0x1], $0xffff;
	_ =	sdelay $0x4  }
0x67: {  	v0 =	vmin.u32 v0, $0x200;
	_ =	sdelay $0x3  }
0x68: {  	vm0 =	vmmov $0xffff;
	s5 =	simm.s32 $0x430;
	s4 =	simm.s32 $0x0  }
0x69: {  	[spmem:s2] =	stream.indirect_vreg.scatter.add.s32 [tilespmem:s3], [sflag:$0x1], $0x1, v0, vm0, $0x4038;
	[tilespmem:$0x1020] =	vst v63  }
.LBB3_1:
0x6a: {  	v0 =	vld.msk [tilespmem:s5+$0x0 ss:$0x1], $0xffff;
	s4 =	sadd.s32 $0x10, s4  }
0x6b: {  	p1 =	slt.u32 s4, $0x3F0;
	_ =	sdelay $0x4  }
0x6c: {  	v0 =	vmin.u32 v0, $0x200  }
.Ltmp4:
0x6d: {  	(pc) =	sbr.rel @p1 .LBB3_1-.Ltmp4, $3  }
0x6e: {  	_ =	sdelay $0x1  }
0x6f: {  	s5 =	sadd.s32 $0x10, s5;
	s3 =	sadd.s32 $0x10, s3  }
0x70: {  	[spmem:s2] =	stream.indirect_vreg.scatter.add.s32 [tilespmem:s3], [sflag:$0x1], $0x1, v0, vm0, $0x4038;
	[tilespmem:$0x1020] =	vst v63  }
0x71: {  	s2 =	simm.s32 $0x1  }
0x72: {  	_ =	swait.ge [sflag:s2], $0x400  }
0x73: {  	[sflag:s2] =	ssyncset.done $0x0  }
0x74: {  	[sflag:s2] =	ssyncadd.s32 $0xFFFFFC00  }
0x75: {  	_ =	sfence.sel $0x180000  }
0x76: {  	s3 =	simm.s32 $0x2;
	[bflag:$0x0] =	sbarrier.arrive $0xFFFF  }
0x77: {  	[sflag:s3] =	ssyncpa.u1 $0x1  }
0x78: {  	[sflag:s2] =	ssyncpa.u1 $0x1  }
0x79: {  	_ =	sfence.stream.spmem  }
0x7a: {  	s31 =	simm.s32 $0x3D;
	[bflag:$0x0] =	sbarrier.arrive $0xFFFF  }
0x7b: {  	s2 =	simm.s32 @p0 $0x3D;
	[sflag:s31] =	ssyncpa.u1 $0x0  }
0x7c: {  	[sflag:s2] =	ssyncpa.u1 @p0 $0x1  }
0x7d: {  	[bflag:$0x0] =	sbarrier.arrive @p0 $0xFFFF  }
0x7e: {  	_ =	strace @p0 $0x90000050  }
0x7f: {  	s3 =	simm.s32 @!p0 $0x1C3D;
	s2 =	simm.s32 @!p0 $0x0;
	[bflag:$0x2] =	sbarrier.arrive @p0 $0xFFFF  }
0x80: {  	[hbm:s1], [sflag:s3] =	dma.local @!p0 [spmem:s2], $0x40  }
0x81: {  	s1 =	simm.s32 @!p0 $0x3D  }
0x82: {  	_ =	swait.ge @!p0 [sflag:s1], $0x40  }
0x83: {  	[sflag:s1] =	ssyncset.done @!p0 $0x0  }
0x84: {  	[sflag:s1] =	ssyncadd.s32 @!p0 $0xFFFFFFC0  }
0x85: {  	[sflag:s1] =	ssyncpa.u1 @!p0 $0x1  }
0x86: {  	[bflag:$0x0] =	sbarrier.arrive @!p0 $0xFFFF  }
0x87: {  	_ =	strace @!p0 $0x90000050  }
0x88: {  	s0 =	sadd.s32 @!p0 $0x100000, s0;
	[bflag:$0x2] =	sbarrier.arrive @!p0 $0xFFFF  }
0x89: {  	[sflag:s0] =	ssyncadd.tile.s32 @!p0 $0x1;
	_ =	shalt  }
.Lfunc_end3:
_tile_overlayer_lowered:
.L_overlay_start_3:
0x8a: {  	(tag) =	ssettag $0x3  }
0x8b: {  	s0 =	rddreg [dreg:$0x0];
	s2 =	stileid.u32  }
0x8c: {  	s1 =	rddreg [dreg:$0x1];
	p0 =	sne.s32 s2, $0x0  }
0x8d: {  	s3 =	rddreg [dreg:$0x2];
	[bflag:$0x3] =	sbarrier.arrive $0xFFFF;
	s2 =	simm.s32 @!p0 $0x1C01  }
0x8e: {  	[timem:s3], [sflag:s2] =	dma.local @!p0 [hbm:s0], s1  }
0x8f: {  	s0 =	simm.s32 @!p0 $0x1  }
0x90: {  	_ =	swait.ge @!p0 [sflag:s0], s1  }
0x91: {  	s1 =	ssub.s32 @!p0 $0x0, s1;
	[sflag:s0] =	ssyncset.done @!p0 $0x0  }
0x92: {  	[sflag:s0] =	ssyncadd.s32 @!p0 s1  }
0x93: {  	[bflag:$0x3] =	sbarrier.arrive $0xFFFF  }
0x94: {  	_ =	shalt  }

</sc_bundles>
